<compile_context>
chip_gen: v7x
topology: tpu7x:2x2x1
jax: 0.10.2.dev20260603
libtpu: 0.0.44.dev20260713+nightly
codegen_flags: <defaults>
</compile_context>

<pallas_src>
import functools

import jax
import jax.numpy as jnp
from jax import lax
from jax.experimental import pallas as pl
from jax.experimental.pallas import tpu as pltpu
from jax.experimental.pallas import tpu_sc as plsc


def _tile_kernel(emb_ref, W1_ref, b1_ref, W2_ref, b2_ref, g_ref, y_ref):
    C = y_ref.shape[0]
    x = emb_ref[0:C, :]
    h = jnp.dot(x, W1_ref[...], preferred_element_type=jnp.float32) + b1_ref[...]
    h = jax.nn.gelu(h)
    h = jnp.dot(h, W2_ref[...], preferred_element_type=jnp.float32) + b2_ref[...]
    x = x + h
    ms = jnp.mean(x * x, axis=-1, keepdims=True)
    y_ref[...] = x * jax.lax.rsqrt(ms + 1e-6) * g_ref[...]


_ROWS_BUF = 16
_FIRE = 8


def _make_sc_writer(B, CD, num_cores, num_subcores):
    nw = num_cores * num_subcores
    b_per_w = B // nw
    n_copies = b_per_w // _ROWS_BUF

    mesh = plsc.VectorSubcoreMesh(core_axis_name="c", subcore_axis_name="s")

    @functools.partial(
        pl.kernel,
        mesh=mesh,
        out_type=jax.ShapeDtypeStruct((B, CD), jnp.float32),
        scratch_types=[
            pltpu.VMEM((_ROWS_BUF, CD), jnp.float32),
            pltpu.SemaphoreType.DMA,
        ],
    )
    def sc_writer(y_hbm, out_hbm, buf, sem):
        wid = lax.axis_index("s") * num_cores + lax.axis_index("c")
        base = wid * b_per_w
        for i in range(_ROWS_BUF):
            pltpu.sync_copy(y_hbm, buf.at[pl.ds(i, 1)])

        def outer(j, carry):
            cps = [
                pltpu.async_copy(
                    buf,
                    out_hbm.at[pl.ds(base + (j * _FIRE + t) * _ROWS_BUF, _ROWS_BUF)],
                    sem,
                )
                for t in range(_FIRE)
            ]
            for cp in cps:
                cp.wait()
            return carry

        lax.fori_loop(0, n_copies // _FIRE, outer, 0)

    return sc_writer


@jax.jit
def kernel(pos, sensor_type, emb, W1, b1, W2, b2, g):
    B, C = pos.shape[0], pos.shape[1]
    D = emb.shape[1]

    y = pl.pallas_call(
        _tile_kernel,
        out_shape=jax.ShapeDtypeStruct((C, D), jnp.float32),
    )(emb, W1, b1.reshape(1, -1), W2, b2.reshape(1, -1), g.reshape(1, -1))

    y_flat = y.reshape(1, C * D)

    writer = _make_sc_writer(B, C * D, 2, 16)
    out = writer(y_flat)

    return out.reshape(B, C, D)

# --- scband reference (transcript-rebuilt; emitter-appended) ---
"""Pipeline reference for scband-brain-sensor-module-fixed-29171417875071 (READ-ONLY COPY).

The authoritative reference and input builder live on the scoring server;
editing this copy changes nothing except your own understanding.
"""

import jax, jax.numpy as jnp
import numpy as np

N_DIM = 16
NUM_SENSORS = 512
B = 16384
C = 306

def setup_inputs(seed: int = 0) -> dict:
    key = jax.random.key(seed)
    ks = jax.random.split(key, 8)
    pos = jax.random.normal(ks[0], (B, C, 6), dtype=jnp.float32)
    sensor_type = jax.random.randint(ks[1], (B, C), 0, NUM_SENSORS, dtype=jnp.int64)
    emb = jax.random.normal(ks[2], (NUM_SENSORS, N_DIM), dtype=jnp.float32) * 0.02
    W1 = jax.random.normal(ks[3], (N_DIM, 4 * N_DIM), dtype=jnp.float32) * (1.0 / np.sqrt(N_DIM))
    b1 = jnp.zeros((4 * N_DIM,), dtype=jnp.float32)
    W2 = jax.random.normal(ks[4], (4 * N_DIM, N_DIM), dtype=jnp.float32) * (1.0 / np.sqrt(4 * N_DIM))
    b2 = jnp.zeros((N_DIM,), dtype=jnp.float32)
    g = jnp.ones((N_DIM,), dtype=jnp.float32)
    return {"pos": pos, "sensor_type": sensor_type, "emb": emb, "W1": W1, "b1": b1, "W2": W2, "b2": b2, "g": g}

def _rmsnorm(x, g, eps=1e-6):
    ms = jnp.mean(jnp.square(x), axis=-1, keepdims=True)
    return x * jax.lax.rsqrt(ms + eps) * g

def reference(pos, sensor_type, emb, W1, b1, W2, b2, g):
    Bb, Cc = pos.shape[0], pos.shape[1]
    chn_ids = jnp.arange(Cc)
    x = jnp.take(emb, chn_ids, axis=0)            # [C, D] embedding gather
    x = jnp.tile(x[None, :, :], (Bb, 1, 1))        # unsqueeze(0).repeat(B,1,1)
    h = jax.nn.gelu(x @ W1 + b1) @ W2 + b2         # FeedForward (dropout=0.0)
    x = x + h
    return _rmsnorm(x, g)

if __name__ == "__main__":
    import jax
    _d = setup_inputs()
    print(jax.jit(kernel)(*tuple(_d.values())))

</pallas_src>

<mosaic_0001>
#map = affine_map<(d0, d1) -> (0, 0)>
module attributes {stable_mosaic.version = 14 : i64} {
  func.func @sc_writer(%arg0: i32, %arg1: i32, %arg2: memref<1x4896xf32, #tpu.memory_space<hbm>>, %arg3: memref<16384x4896xf32, #tpu.memory_space<hbm>>, %arg4: memref<16x4896xf32, #tpu.memory_space<vmem>>, %arg5: memref<!tpu.dma_semaphore, #tpu.memory_space<semaphore_mem>>) attributes {dimension_semantics = [#tpu.dimension_semantics<core_parallel>, #tpu.dimension_semantics<subcore_parallel>], iteration_bounds = array<i64: 2, 16>, scalar_prefetch = 0 : i64, scratch_operands = 2 : i64, tpu.core_type = #tpu.core_type<sc_vector_subcore>, window_params = [{transform_indices = #map}, {transform_indices = #map}]} {
    %mul3A = arith.constant 2 : i32
    %mul3A_0 = arith.muli %arg1, %mul3A : i32
    %add3A = arith.addi %mul3A_0, %arg0 : i32
    %mul3A_1 = arith.constant 512 : i32
    %mul3A_2 = arith.muli %add3A, %mul3A_1 : i32
    "tpu.region"() ({
      %run_scoped3A = tpu.sem_alloc : memref<!tpu.dma_semaphore, #tpu.memory_space<semaphore_mem>>
      %dma_start3A = arith.constant 0 : i32
      %dma_start3A_8 = arith.constant 0 : i32
      %dma_start3A_9 = tpu.memref_slice %arg4[%dma_start3A, %dma_start3A_8] : memref<16x4896xf32, #tpu.memory_space<vmem>> -> memref<1x4896xf32, #tpu.memory_space<vmem>>
      %dma_start3A_10 = arith.constant 0 : i32
      %dma_start3A_11 = arith.constant 0 : i32
      %dma_start3A_12 = tpu.memref_slice %arg4[%dma_start3A_10, %dma_start3A_11] : memref<16x4896xf32, #tpu.memory_space<vmem>> -> memref<1x4896xf32, #tpu.memory_space<vmem>>
      tpu.enqueue_dma source(%arg2 : memref<1x4896xf32, #tpu.memory_space<hbm>>) target(%dma_start3A_12 : memref<1x4896xf32, #tpu.memory_space<vmem>>) target_semaphore(%run_scoped3A : memref<!tpu.dma_semaphore, #tpu.memory_space<semaphore_mem>>)
      %dma_wait3A = arith.constant 0 : i32
      %dma_wait3A_13 = arith.constant 0 : i32
      %dma_wait3A_14 = tpu.memref_slice %arg4[%dma_wait3A, %dma_wait3A_13] : memref<16x4896xf32, #tpu.memory_space<vmem>> -> memref<1x4896xf32, #tpu.memory_space<vmem>>
      %dma_wait3A_15 = arith.constant 0 : i32
      %dma_wait3A_16 = arith.constant 0 : i32
      %dma_wait3A_17 = tpu.memref_slice %arg4[%dma_wait3A_15, %dma_wait3A_16] : memref<16x4896xf32, #tpu.memory_space<vmem>> -> memref<1x4896xf32, #tpu.memory_space<vmem>>
      tpu.wait_dma2 semaphore(%run_scoped3A : memref<!tpu.dma_semaphore, #tpu.memory_space<semaphore_mem>>) src(%arg2 : memref<1x4896xf32, #tpu.memory_space<hbm>>) dst(%dma_wait3A_17 : memref<1x4896xf32, #tpu.memory_space<vmem>>)
      tpu.yield
    }) : () -> ()
    "tpu.region"() ({
      %run_scoped3A = tpu.sem_alloc : memref<!tpu.dma_semaphore, #tpu.memory_space<semaphore_mem>>
      %dma_start3A = arith.constant 1 : i32
      %dma_start3A_8 = arith.constant 0 : i32
      %dma_start3A_9 = tpu.memref_slice %arg4[%dma_start3A, %dma_start3A_8] : memref<16x4896xf32, #tpu.memory_space<vmem>> -> memref<1x4896xf32, #tpu.memory_space<vmem>>
      %dma_start3A_10 = arith.constant 1 : i32
      %dma_start3A_11 = arith.constant 0 : i32
      %dma_start3A_12 = tpu.memref_slice %arg4[%dma_start3A_10, %dma_start3A_11] : memref<16x4896xf32, #tpu.memory_space<vmem>> -> memref<1x4896xf32, #tpu.memory_space<vmem>>
      tpu.enqueue_dma source(%arg2 : memref<1x4896xf32, #tpu.memory_space<hbm>>) target(%dma_start3A_12 : memref<1x4896xf32, #tpu.memory_space<vmem>>) target_semaphore(%run_scoped3A : memref<!tpu.dma_semaphore, #tpu.memory_space<semaphore_mem>>)
      %dma_wait3A = arith.constant 1 : i32
      %dma_wait3A_13 = arith.constant 0 : i32
      %dma_wait3A_14 = tpu.memref_slice %arg4[%dma_wait3A, %dma_wait3A_13] : memref<16x4896xf32, #tpu.memory_space<vmem>> -> memref<1x4896xf32, #tpu.memory_space<vmem>>
      %dma_wait3A_15 = arith.constant 1 : i32
      %dma_wait3A_16 = arith.constant 0 : i32
      %dma_wait3A_17 = tpu.memref_slice %arg4[%dma_wait3A_15, %dma_wait3A_16] : memref<16x4896xf32, #tpu.memory_space<vmem>> -> memref<1x4896xf32, #tpu.memory_space<vmem>>
      tpu.wait_dma2 semaphore(%run_scoped3A : memref<!tpu.dma_semaphore, #tpu.memory_space<semaphore_mem>>) src(%arg2 : memref<1x4896xf32, #tpu.memory_space<hbm>>) dst(%dma_wait3A_17 : memref<1x4896xf32, #tpu.memory_space<vmem>>)
      tpu.yield
    }) : () -> ()
    "tpu.region"() ({
      %run_scoped3A = tpu.sem_alloc : memref<!tpu.dma_semaphore, #tpu.memory_space<semaphore_mem>>
      %dma_start3A = arith.constant 2 : i32
      %dma_start3A_8 = arith.constant 0 : i32
      %dma_start3A_9 = tpu.memref_slice %arg4[%dma_start3A, %dma_start3A_8] : memref<16x4896xf32, #tpu.memory_space<vmem>> -> memref<1x4896xf32, #tpu.memory_space<vmem>>
      %dma_start3A_10 = arith.constant 2 : i32
      %dma_start3A_11 = arith.constant 0 : i32
      %dma_start3A_12 = tpu.memref_slice %arg4[%dma_start3A_10, %dma_start3A_11] : memref<16x4896xf32, #tpu.memory_space<vmem>> -> memref<1x4896xf32, #tpu.memory_space<vmem>>
      tpu.enqueue_dma source(%arg2 : memref<1x4896xf32, #tpu.memory_space<hbm>>) target(%dma_start3A_12 : memref<1x4896xf32, #tpu.memory_space<vmem>>) target_semaphore(%run_scoped3A : memref<!tpu.dma_semaphore, #tpu.memory_space<semaphore_mem>>)
      %dma_wait3A = arith.constant 2 : i32
      %dma_wait3A_13 = arith.constant 0 : i32
      %dma_wait3A_14 = tpu.memref_slice %arg4[%dma_wait3A, %dma_wait3A_13] : memref<16x4896xf32, #tpu.memory_space<vmem>> -> memref<1x4896xf32, #tpu.memory_space<vmem>>
      %dma_wait3A_15 = arith.constant 2 : i32
      %dma_wait3A_16 = arith.constant 0 : i32
      %dma_wait3A_17 = tpu.memref_slice %arg4[%dma_wait3A_15, %dma_wait3A_16] : memref<16x4896xf32, #tpu.memory_space<vmem>> -> memref<1x4896xf32, #tpu.memory_space<vmem>>
      tpu.wait_dma2 semaphore(%run_scoped3A : memref<!tpu.dma_semaphore, #tpu.memory_space<semaphore_mem>>) src(%arg2 : memref<1x4896xf32, #tpu.memory_space<hbm>>) dst(%dma_wait3A_17 : memref<1x4896xf32, #tpu.memory_space<vmem>>)
      tpu.yield
    }) : () -> ()
    "tpu.region"() ({
      %run_scoped3A = tpu.sem_alloc : memref<!tpu.dma_semaphore, #tpu.memory_space<semaphore_mem>>
      %dma_start3A = arith.constant 3 : i32
      %dma_start3A_8 = arith.constant 0 : i32
      %dma_start3A_9 = tpu.memref_slice %arg4[%dma_start3A, %dma_start3A_8] : memref<16x4896xf32, #tpu.memory_space<vmem>> -> memref<1x4896xf32, #tpu.memory_space<vmem>>
      %dma_start3A_10 = arith.constant 3 : i32
      %dma_start3A_11 = arith.constant 0 : i32
      %dma_start3A_12 = tpu.memref_slice %arg4[%dma_start3A_10, %dma_start3A_11] : memref<16x4896xf32, #tpu.memory_space<vmem>> -> memref<1x4896xf32, #tpu.memory_space<vmem>>
      tpu.enqueue_dma source(%arg2 : memref<1x4896xf32, #tpu.memory_space<hbm>>) target(%dma_start3A_12 : memref<1x4896xf32, #tpu.memory_space<vmem>>) target_semaphore(%run_scoped3A : memref<!tpu.dma_semaphore, #tpu.memory_space<semaphore_mem>>)
      %dma_wait3A = arith.constant 3 : i32
      %dma_wait3A_13 = arith.constant 0 : i32
      %dma_wait3A_14 = tpu.memref_slice %arg4[%dma_wait3A, %dma_wait3A_13] : memref<16x4896xf32, #tpu.memory_space<vmem>> -> memref<1x4896xf32, #tpu.memory_space<vmem>>
      %dma_wait3A_15 = arith.constant 3 : i32
      %dma_wait3A_16 = arith.constant 0 : i32
      %dma_wait3A_17 = tpu.memref_slice %arg4[%dma_wait3A_15, %dma_wait3A_16] : memref<16x4896xf32, #tpu.memory_space<vmem>> -> memref<1x4896xf32, #tpu.memory_space<vmem>>
      tpu.wait_dma2 semaphore(%run_scoped3A : memref<!tpu.dma_semaphore, #tpu.memory_space<semaphore_mem>>) src(%arg2 : memref<1x4896xf32, #tpu.memory_space<hbm>>) dst(%dma_wait3A_17 : memref<1x4896xf32, #tpu.memory_space<vmem>>)
      tpu.yield
    }) : () -> ()
    "tpu.region"() ({
      %run_scoped3A = tpu.sem_alloc : memref<!tpu.dma_semaphore, #tpu.memory_space<semaphore_mem>>
      %dma_start3A = arith.constant 4 : i32
      %dma_start3A_8 = arith.constant 0 : i32
      %dma_start3A_9 = tpu.memref_slice %arg4[%dma_start3A, %dma_start3A_8] : memref<16x4896xf32, #tpu.memory_space<vmem>> -> memref<1x4896xf32, #tpu.memory_space<vmem>>
      %dma_start3A_10 = arith.constant 4 : i32
      %dma_start3A_11 = arith.constant 0 : i32
      %dma_start3A_12 = tpu.memref_slice %arg4[%dma_start3A_10, %dma_start3A_11] : memref<16x4896xf32, #tpu.memory_space<vmem>> -> memref<1x4896xf32, #tpu.memory_space<vmem>>
      tpu.enqueue_dma source(%arg2 : memref<1x4896xf32, #tpu.memory_space<hbm>>) target(%dma_start3A_12 : memref<1x4896xf32, #tpu.memory_space<vmem>>) target_semaphore(%run_scoped3A : memref<!tpu.dma_semaphore, #tpu.memory_space<semaphore_mem>>)
      %dma_wait3A = arith.constant 4 : i32
      %dma_wait3A_13 = arith.constant 0 : i32
      %dma_wait3A_14 = tpu.memref_slice %arg4[%dma_wait3A, %dma_wait3A_13] : memref<16x4896xf32, #tpu.memory_space<vmem>> -> memref<1x4896xf32, #tpu.memory_space<vmem>>
      %dma_wait3A_15 = arith.constant 4 : i32
      %dma_wait3A_16 = arith.constant 0 : i32
      %dma_wait3A_17 = tpu.memref_slice %arg4[%dma_wait3A_15, %dma_wait3A_16] : memref<16x4896xf32, #tpu.memory_space<vmem>> -> memref<1x4896xf32, #tpu.memory_space<vmem>>
      tpu.wait_dma2 semaphore(%run_scoped3A : memref<!tpu.dma_semaphore, #tpu.memory_space<semaphore_mem>>) src(%arg2 : memref<1x4896xf32, #tpu.memory_space<hbm>>) dst(%dma_wait3A_17 : memref<1x4896xf32, #tpu.memory_space<vmem>>)
      tpu.yield
    }) : () -> ()
    "tpu.region"() ({
      %run_scoped3A = tpu.sem_alloc : memref<!tpu.dma_semaphore, #tpu.memory_space<semaphore_mem>>
      %dma_start3A = arith.constant 5 : i32
      %dma_start3A_8 = arith.constant 0 : i32
      %dma_start3A_9 = tpu.memref_slice %arg4[%dma_start3A, %dma_start3A_8] : memref<16x4896xf32, #tpu.memory_space<vmem>> -> memref<1x4896xf32, #tpu.memory_space<vmem>>
      %dma_start3A_10 = arith.constant 5 : i32
      %dma_start3A_11 = arith.constant 0 : i32
      %dma_start3A_12 = tpu.memref_slice %arg4[%dma_start3A_10, %dma_start3A_11] : memref<16x4896xf32, #tpu.memory_space<vmem>> -> memref<1x4896xf32, #tpu.memory_space<vmem>>
      tpu.enqueue_dma source(%arg2 : memref<1x4896xf32, #tpu.memory_space<hbm>>) target(%dma_start3A_12 : memref<1x4896xf32, #tpu.memory_space<vmem>>) target_semaphore(%run_scoped3A : memref<!tpu.dma_semaphore, #tpu.memory_space<semaphore_mem>>)
      %dma_wait3A = arith.constant 5 : i32
      %dma_wait3A_13 = arith.constant 0 : i32
      %dma_wait3A_14 = tpu.memref_slice %arg4[%dma_wait3A, %dma_wait3A_13] : memref<16x4896xf32, #tpu.memory_space<vmem>> -> memref<1x4896xf32, #tpu.memory_space<vmem>>
      %dma_wait3A_15 = arith.constant 5 : i32
      %dma_wait3A_16 = arith.constant 0 : i32
      %dma_wait3A_17 = tpu.memref_slice %arg4[%dma_wait3A_15, %dma_wait3A_16] : memref<16x4896xf32, #tpu.memory_space<vmem>> -> memref<1x4896xf32, #tpu.memory_space<vmem>>
      tpu.wait_dma2 semaphore(%run_scoped3A : memref<!tpu.dma_semaphore, #tpu.memory_space<semaphore_mem>>) src(%arg2 : memref<1x4896xf32, #tpu.memory_space<hbm>>) dst(%dma_wait3A_17 : memref<1x4896xf32, #tpu.memory_space<vmem>>)
      tpu.yield
    }) : () -> ()
    "tpu.region"() ({
      %run_scoped3A = tpu.sem_alloc : memref<!tpu.dma_semaphore, #tpu.memory_space<semaphore_mem>>
      %dma_start3A = arith.constant 6 : i32
      %dma_start3A_8 = arith.constant 0 : i32
      %dma_start3A_9 = tpu.memref_slice %arg4[%dma_start3A, %dma_start3A_8] : memref<16x4896xf32, #tpu.memory_space<vmem>> -> memref<1x4896xf32, #tpu.memory_space<vmem>>
      %dma_start3A_10 = arith.constant 6 : i32
      %dma_start3A_11 = arith.constant 0 : i32
      %dma_start3A_12 = tpu.memref_slice %arg4[%dma_start3A_10, %dma_start3A_11] : memref<16x4896xf32, #tpu.memory_space<vmem>> -> memref<1x4896xf32, #tpu.memory_space<vmem>>
      tpu.enqueue_dma source(%arg2 : memref<1x4896xf32, #tpu.memory_space<hbm>>) target(%dma_start3A_12 : memref<1x4896xf32, #tpu.memory_space<vmem>>) target_semaphore(%run_scoped3A : memref<!tpu.dma_semaphore, #tpu.memory_space<semaphore_mem>>)
      %dma_wait3A = arith.constant 6 : i32
      %dma_wait3A_13 = arith.constant 0 : i32
      %dma_wait3A_14 = tpu.memref_slice %arg4[%dma_wait3A, %dma_wait3A_13] : memref<16x4896xf32, #tpu.memory_space<vmem>> -> memref<1x4896xf32, #tpu.memory_space<vmem>>
      %dma_wait3A_15 = arith.constant 6 : i32
      %dma_wait3A_16 = arith.constant 0 : i32
      %dma_wait3A_17 = tpu.memref_slice %arg4[%dma_wait3A_15, %dma_wait3A_16] : memref<16x4896xf32, #tpu.memory_space<vmem>> -> memref<1x4896xf32, #tpu.memory_space<vmem>>
      tpu.wait_dma2 semaphore(%run_scoped3A : memref<!tpu.dma_semaphore, #tpu.memory_space<semaphore_mem>>) src(%arg2 : memref<1x4896xf32, #tpu.memory_space<hbm>>) dst(%dma_wait3A_17 : memref<1x4896xf32, #tpu.memory_space<vmem>>)
      tpu.yield
    }) : () -> ()
    "tpu.region"() ({
      %run_scoped3A = tpu.sem_alloc : memref<!tpu.dma_semaphore, #tpu.memory_space<semaphore_mem>>
      %dma_start3A = arith.constant 7 : i32
      %dma_start3A_8 = arith.constant 0 : i32
      %dma_start3A_9 = tpu.memref_slice %arg4[%dma_start3A, %dma_start3A_8] : memref<16x4896xf32, #tpu.memory_space<vmem>> -> memref<1x4896xf32, #tpu.memory_space<vmem>>
      %dma_start3A_10 = arith.constant 7 : i32
      %dma_start3A_11 = arith.constant 0 : i32
      %dma_start3A_12 = tpu.memref_slice %arg4[%dma_start3A_10, %dma_start3A_11] : memref<16x4896xf32, #tpu.memory_space<vmem>> -> memref<1x4896xf32, #tpu.memory_space<vmem>>
      tpu.enqueue_dma source(%arg2 : memref<1x4896xf32, #tpu.memory_space<hbm>>) target(%dma_start3A_12 : memref<1x4896xf32, #tpu.memory_space<vmem>>) target_semaphore(%run_scoped3A : memref<!tpu.dma_semaphore, #tpu.memory_space<semaphore_mem>>)
      %dma_wait3A = arith.constant 7 : i32
      %dma_wait3A_13 = arith.constant 0 : i32
      %dma_wait3A_14 = tpu.memref_slice %arg4[%dma_wait3A, %dma_wait3A_13] : memref<16x4896xf32, #tpu.memory_space<vmem>> -> memref<1x4896xf32, #tpu.memory_space<vmem>>
      %dma_wait3A_15 = arith.constant 7 : i32
      %dma_wait3A_16 = arith.constant 0 : i32
      %dma_wait3A_17 = tpu.memref_slice %arg4[%dma_wait3A_15, %dma_wait3A_16] : memref<16x4896xf32, #tpu.memory_space<vmem>> -> memref<1x4896xf32, #tpu.memory_space<vmem>>
      tpu.wait_dma2 semaphore(%run_scoped3A : memref<!tpu.dma_semaphore, #tpu.memory_space<semaphore_mem>>) src(%arg2 : memref<1x4896xf32, #tpu.memory_space<hbm>>) dst(%dma_wait3A_17 : memref<1x4896xf32, #tpu.memory_space<vmem>>)
      tpu.yield
    }) : () -> ()
    "tpu.region"() ({
      %run_scoped3A = tpu.sem_alloc : memref<!tpu.dma_semaphore, #tpu.memory_space<semaphore_mem>>
      %dma_start3A = arith.constant 8 : i32
      %dma_start3A_8 = arith.constant 0 : i32
      %dma_start3A_9 = tpu.memref_slice %arg4[%dma_start3A, %dma_start3A_8] : memref<16x4896xf32, #tpu.memory_space<vmem>> -> memref<1x4896xf32, #tpu.memory_space<vmem>>
      %dma_start3A_10 = arith.constant 8 : i32
      %dma_start3A_11 = arith.constant 0 : i32
      %dma_start3A_12 = tpu.memref_slice %arg4[%dma_start3A_10, %dma_start3A_11] : memref<16x4896xf32, #tpu.memory_space<vmem>> -> memref<1x4896xf32, #tpu.memory_space<vmem>>
      tpu.enqueue_dma source(%arg2 : memref<1x4896xf32, #tpu.memory_space<hbm>>) target(%dma_start3A_12 : memref<1x4896xf32, #tpu.memory_space<vmem>>) target_semaphore(%run_scoped3A : memref<!tpu.dma_semaphore, #tpu.memory_space<semaphore_mem>>)
      %dma_wait3A = arith.constant 8 : i32
      %dma_wait3A_13 = arith.constant 0 : i32
      %dma_wait3A_14 = tpu.memref_slice %arg4[%dma_wait3A, %dma_wait3A_13] : memref<16x4896xf32, #tpu.memory_space<vmem>> -> memref<1x4896xf32, #tpu.memory_space<vmem>>
      %dma_wait3A_15 = arith.constant 8 : i32
      %dma_wait3A_16 = arith.constant 0 : i32
      %dma_wait3A_17 = tpu.memref_slice %arg4[%dma_wait3A_15, %dma_wait3A_16] : memref<16x4896xf32, #tpu.memory_space<vmem>> -> memref<1x4896xf32, #tpu.memory_space<vmem>>
      tpu.wait_dma2 semaphore(%run_scoped3A : memref<!tpu.dma_semaphore, #tpu.memory_space<semaphore_mem>>) src(%arg2 : memref<1x4896xf32, #tpu.memory_space<hbm>>) dst(%dma_wait3A_17 : memref<1x4896xf32, #tpu.memory_space<vmem>>)
      tpu.yield
    }) : () -> ()
    "tpu.region"() ({
      %run_scoped3A = tpu.sem_alloc : memref<!tpu.dma_semaphore, #tpu.memory_space<semaphore_mem>>
      %dma_start3A = arith.constant 9 : i32
      %dma_start3A_8 = arith.constant 0 : i32
      %dma_start3A_9 = tpu.memref_slice %arg4[%dma_start3A, %dma_start3A_8] : memref<16x4896xf32, #tpu.memory_space<vmem>> -> memref<1x4896xf32, #tpu.memory_space<vmem>>
      %dma_start3A_10 = arith.constant 9 : i32
      %dma_start3A_11 = arith.constant 0 : i32
      %dma_start3A_12 = tpu.memref_slice %arg4[%dma_start3A_10, %dma_start3A_11] : memref<16x4896xf32, #tpu.memory_space<vmem>> -> memref<1x4896xf32, #tpu.memory_space<vmem>>
      tpu.enqueue_dma source(%arg2 : memref<1x4896xf32, #tpu.memory_space<hbm>>) target(%dma_start3A_12 : memref<1x4896xf32, #tpu.memory_space<vmem>>) target_semaphore(%run_scoped3A : memref<!tpu.dma_semaphore, #tpu.memory_space<semaphore_mem>>)
      %dma_wait3A = arith.constant 9 : i32
      %dma_wait3A_13 = arith.constant 0 : i32
      %dma_wait3A_14 = tpu.memref_slice %arg4[%dma_wait3A, %dma_wait3A_13] : memref<16x4896xf32, #tpu.memory_space<vmem>> -> memref<1x4896xf32, #tpu.memory_space<vmem>>
      %dma_wait3A_15 = arith.constant 9 : i32
      %dma_wait3A_16 = arith.constant 0 : i32
      %dma_wait3A_17 = tpu.memref_slice %arg4[%dma_wait3A_15, %dma_wait3A_16] : memref<16x4896xf32, #tpu.memory_space<vmem>> -> memref<1x4896xf32, #tpu.memory_space<vmem>>
      tpu.wait_dma2 semaphore(%run_scoped3A : memref<!tpu.dma_semaphore, #tpu.memory_space<semaphore_mem>>) src(%arg2 : memref<1x4896xf32, #tpu.memory_space<hbm>>) dst(%dma_wait3A_17 : memref<1x4896xf32, #tpu.memory_space<vmem>>)
      tpu.yield
    }) : () -> ()
    "tpu.region"() ({
      %run_scoped3A = tpu.sem_alloc : memref<!tpu.dma_semaphore, #tpu.memory_space<semaphore_mem>>
      %dma_start3A = arith.constant 10 : i32
      %dma_start3A_8 = arith.constant 0 : i32
      %dma_start3A_9 = tpu.memref_slice %arg4[%dma_start3A, %dma_start3A_8] : memref<16x4896xf32, #tpu.memory_space<vmem>> -> memref<1x4896xf32, #tpu.memory_space<vmem>>
      %dma_start3A_10 = arith.constant 10 : i32
      %dma_start3A_11 = arith.constant 0 : i32
      %dma_start3A_12 = tpu.memref_slice %arg4[%dma_start3A_10, %dma_start3A_11] : memref<16x4896xf32, #tpu.memory_space<vmem>> -> memref<1x4896xf32, #tpu.memory_space<vmem>>
      tpu.enqueue_dma source(%arg2 : memref<1x4896xf32, #tpu.memory_space<hbm>>) target(%dma_start3A_12 : memref<1x4896xf32, #tpu.memory_space<vmem>>) target_semaphore(%run_scoped3A : memref<!tpu.dma_semaphore, #tpu.memory_space<semaphore_mem>>)
      %dma_wait3A = arith.constant 10 : i32
      %dma_wait3A_13 = arith.constant 0 : i32
      %dma_wait3A_14 = tpu.memref_slice %arg4[%dma_wait3A, %dma_wait3A_13] : memref<16x4896xf32, #tpu.memory_space<vmem>> -> memref<1x4896xf32, #tpu.memory_space<vmem>>
      %dma_wait3A_15 = arith.constant 10 : i32
      %dma_wait3A_16 = arith.constant 0 : i32
      %dma_wait3A_17 = tpu.memref_slice %arg4[%dma_wait3A_15, %dma_wait3A_16] : memref<16x4896xf32, #tpu.memory_space<vmem>> -> memref<1x4896xf32, #tpu.memory_space<vmem>>
      tpu.wait_dma2 semaphore(%run_scoped3A : memref<!tpu.dma_semaphore, #tpu.memory_space<semaphore_mem>>) src(%arg2 : memref<1x4896xf32, #tpu.memory_space<hbm>>) dst(%dma_wait3A_17 : memref<1x4896xf32, #tpu.memory_space<vmem>>)
      tpu.yield
    }) : () -> ()
    "tpu.region"() ({
      %run_scoped3A = tpu.sem_alloc : memref<!tpu.dma_semaphore, #tpu.memory_space<semaphore_mem>>
      %dma_start3A = arith.constant 11 : i32
      %dma_start3A_8 = arith.constant 0 : i32
      %dma_start3A_9 = tpu.memref_slice %arg4[%dma_start3A, %dma_start3A_8] : memref<16x4896xf32, #tpu.memory_space<vmem>> -> memref<1x4896xf32, #tpu.memory_space<vmem>>
      %dma_start3A_10 = arith.constant 11 : i32
      %dma_start3A_11 = arith.constant 0 : i32
      %dma_start3A_12 = tpu.memref_slice %arg4[%dma_start3A_10, %dma_start3A_11] : memref<16x4896xf32, #tpu.memory_space<vmem>> -> memref<1x4896xf32, #tpu.memory_space<vmem>>
      tpu.enqueue_dma source(%arg2 : memref<1x4896xf32, #tpu.memory_space<hbm>>) target(%dma_start3A_12 : memref<1x4896xf32, #tpu.memory_space<vmem>>) target_semaphore(%run_scoped3A : memref<!tpu.dma_semaphore, #tpu.memory_space<semaphore_mem>>)
      %dma_wait3A = arith.constant 11 : i32
      %dma_wait3A_13 = arith.constant 0 : i32
      %dma_wait3A_14 = tpu.memref_slice %arg4[%dma_wait3A, %dma_wait3A_13] : memref<16x4896xf32, #tpu.memory_space<vmem>> -> memref<1x4896xf32, #tpu.memory_space<vmem>>
      %dma_wait3A_15 = arith.constant 11 : i32
      %dma_wait3A_16 = arith.constant 0 : i32
      %dma_wait3A_17 = tpu.memref_slice %arg4[%dma_wait3A_15, %dma_wait3A_16] : memref<16x4896xf32, #tpu.memory_space<vmem>> -> memref<1x4896xf32, #tpu.memory_space<vmem>>
      tpu.wait_dma2 semaphore(%run_scoped3A : memref<!tpu.dma_semaphore, #tpu.memory_space<semaphore_mem>>) src(%arg2 : memref<1x4896xf32, #tpu.memory_space<hbm>>) dst(%dma_wait3A_17 : memref<1x4896xf32, #tpu.memory_space<vmem>>)
      tpu.yield
    }) : () -> ()
    "tpu.region"() ({
      %run_scoped3A = tpu.sem_alloc : memref<!tpu.dma_semaphore, #tpu.memory_space<semaphore_mem>>
      %dma_start3A = arith.constant 12 : i32
      %dma_start3A_8 = arith.constant 0 : i32
      %dma_start3A_9 = tpu.memref_slice %arg4[%dma_start3A, %dma_start3A_8] : memref<16x4896xf32, #tpu.memory_space<vmem>> -> memref<1x4896xf32, #tpu.memory_space<vmem>>
      %dma_start3A_10 = arith.constant 12 : i32
      %dma_start3A_11 = arith.constant 0 : i32
      %dma_start3A_12 = tpu.memref_slice %arg4[%dma_start3A_10, %dma_start3A_11] : memref<16x4896xf32, #tpu.memory_space<vmem>> -> memref<1x4896xf32, #tpu.memory_space<vmem>>
      tpu.enqueue_dma source(%arg2 : memref<1x4896xf32, #tpu.memory_space<hbm>>) target(%dma_start3A_12 : memref<1x4896xf32, #tpu.memory_space<vmem>>) target_semaphore(%run_scoped3A : memref<!tpu.dma_semaphore, #tpu.memory_space<semaphore_mem>>)
      %dma_wait3A = arith.constant 12 : i32
      %dma_wait3A_13 = arith.constant 0 : i32
      %dma_wait3A_14 = tpu.memref_slice %arg4[%dma_wait3A, %dma_wait3A_13] : memref<16x4896xf32, #tpu.memory_space<vmem>> -> memref<1x4896xf32, #tpu.memory_space<vmem>>
      %dma_wait3A_15 = arith.constant 12 : i32
      %dma_wait3A_16 = arith.constant 0 : i32
      %dma_wait3A_17 = tpu.memref_slice %arg4[%dma_wait3A_15, %dma_wait3A_16] : memref<16x4896xf32, #tpu.memory_space<vmem>> -> memref<1x4896xf32, #tpu.memory_space<vmem>>
      tpu.wait_dma2 semaphore(%run_scoped3A : memref<!tpu.dma_semaphore, #tpu.memory_space<semaphore_mem>>) src(%arg2 : memref<1x4896xf32, #tpu.memory_space<hbm>>) dst(%dma_wait3A_17 : memref<1x4896xf32, #tpu.memory_space<vmem>>)
      tpu.yield
    }) : () -> ()
    "tpu.region"() ({
      %run_scoped3A = tpu.sem_alloc : memref<!tpu.dma_semaphore, #tpu.memory_space<semaphore_mem>>
      %dma_start3A = arith.constant 13 : i32
      %dma_start3A_8 = arith.constant 0 : i32
      %dma_start3A_9 = tpu.memref_slice %arg4[%dma_start3A, %dma_start3A_8] : memref<16x4896xf32, #tpu.memory_space<vmem>> -> memref<1x4896xf32, #tpu.memory_space<vmem>>
      %dma_start3A_10 = arith.constant 13 : i32
      %dma_start3A_11 = arith.constant 0 : i32
      %dma_start3A_12 = tpu.memref_slice %arg4[%dma_start3A_10, %dma_start3A_11] : memref<16x4896xf32, #tpu.memory_space<vmem>> -> memref<1x4896xf32, #tpu.memory_space<vmem>>
      tpu.enqueue_dma source(%arg2 : memref<1x4896xf32, #tpu.memory_space<hbm>>) target(%dma_start3A_12 : memref<1x4896xf32, #tpu.memory_space<vmem>>) target_semaphore(%run_scoped3A : memref<!tpu.dma_semaphore, #tpu.memory_space<semaphore_mem>>)
      %dma_wait3A = arith.constant 13 : i32
      %dma_wait3A_13 = arith.constant 0 : i32
      %dma_wait3A_14 = tpu.memref_slice %arg4[%dma_wait3A, %dma_wait3A_13] : memref<16x4896xf32, #tpu.memory_space<vmem>> -> memref<1x4896xf32, #tpu.memory_space<vmem>>
      %dma_wait3A_15 = arith.constant 13 : i32
      %dma_wait3A_16 = arith.constant 0 : i32
      %dma_wait3A_17 = tpu.memref_slice %arg4[%dma_wait3A_15, %dma_wait3A_16] : memref<16x4896xf32, #tpu.memory_space<vmem>> -> memref<1x4896xf32, #tpu.memory_space<vmem>>
      tpu.wait_dma2 semaphore(%run_scoped3A : memref<!tpu.dma_semaphore, #tpu.memory_space<semaphore_mem>>) src(%arg2 : memref<1x4896xf32, #tpu.memory_space<hbm>>) dst(%dma_wait3A_17 : memref<1x4896xf32, #tpu.memory_space<vmem>>)
      tpu.yield
    }) : () -> ()
    "tpu.region"() ({
      %run_scoped3A = tpu.sem_alloc : memref<!tpu.dma_semaphore, #tpu.memory_space<semaphore_mem>>
      %dma_start3A = arith.constant 14 : i32
      %dma_start3A_8 = arith.constant 0 : i32
      %dma_start3A_9 = tpu.memref_slice %arg4[%dma_start3A, %dma_start3A_8] : memref<16x4896xf32, #tpu.memory_space<vmem>> -> memref<1x4896xf32, #tpu.memory_space<vmem>>
      %dma_start3A_10 = arith.constant 14 : i32
      %dma_start3A_11 = arith.constant 0 : i32
      %dma_start3A_12 = tpu.memref_slice %arg4[%dma_start3A_10, %dma_start3A_11] : memref<16x4896xf32, #tpu.memory_space<vmem>> -> memref<1x4896xf32, #tpu.memory_space<vmem>>
      tpu.enqueue_dma source(%arg2 : memref<1x4896xf32, #tpu.memory_space<hbm>>) target(%dma_start3A_12 : memref<1x4896xf32, #tpu.memory_space<vmem>>) target_semaphore(%run_scoped3A : memref<!tpu.dma_semaphore, #tpu.memory_space<semaphore_mem>>)
      %dma_wait3A = arith.constant 14 : i32
      %dma_wait3A_13 = arith.constant 0 : i32
      %dma_wait3A_14 = tpu.memref_slice %arg4[%dma_wait3A, %dma_wait3A_13] : memref<16x4896xf32, #tpu.memory_space<vmem>> -> memref<1x4896xf32, #tpu.memory_space<vmem>>
      %dma_wait3A_15 = arith.constant 14 : i32
      %dma_wait3A_16 = arith.constant 0 : i32
      %dma_wait3A_17 = tpu.memref_slice %arg4[%dma_wait3A_15, %dma_wait3A_16] : memref<16x4896xf32, #tpu.memory_space<vmem>> -> memref<1x4896xf32, #tpu.memory_space<vmem>>
      tpu.wait_dma2 semaphore(%run_scoped3A : memref<!tpu.dma_semaphore, #tpu.memory_space<semaphore_mem>>) src(%arg2 : memref<1x4896xf32, #tpu.memory_space<hbm>>) dst(%dma_wait3A_17 : memref<1x4896xf32, #tpu.memory_space<vmem>>)
      tpu.yield
    }) : () -> ()
    "tpu.region"() ({
      %run_scoped3A = tpu.sem_alloc : memref<!tpu.dma_semaphore, #tpu.memory_space<semaphore_mem>>
      %dma_start3A = arith.constant 15 : i32
      %dma_start3A_8 = arith.constant 0 : i32
      %dma_start3A_9 = tpu.memref_slice %arg4[%dma_start3A, %dma_start3A_8] : memref<16x4896xf32, #tpu.memory_space<vmem>> -> memref<1x4896xf32, #tpu.memory_space<vmem>>
      %dma_start3A_10 = arith.constant 15 : i32
      %dma_start3A_11 = arith.constant 0 : i32
      %dma_start3A_12 = tpu.memref_slice %arg4[%dma_start3A_10, %dma_start3A_11] : memref<16x4896xf32, #tpu.memory_space<vmem>> -> memref<1x4896xf32, #tpu.memory_space<vmem>>
      tpu.enqueue_dma source(%arg2 : memref<1x4896xf32, #tpu.memory_space<hbm>>) target(%dma_start3A_12 : memref<1x4896xf32, #tpu.memory_space<vmem>>) target_semaphore(%run_scoped3A : memref<!tpu.dma_semaphore, #tpu.memory_space<semaphore_mem>>)
      %dma_wait3A = arith.constant 15 : i32
      %dma_wait3A_13 = arith.constant 0 : i32
      %dma_wait3A_14 = tpu.memref_slice %arg4[%dma_wait3A, %dma_wait3A_13] : memref<16x4896xf32, #tpu.memory_space<vmem>> -> memref<1x4896xf32, #tpu.memory_space<vmem>>
      %dma_wait3A_15 = arith.constant 15 : i32
      %dma_wait3A_16 = arith.constant 0 : i32
      %dma_wait3A_17 = tpu.memref_slice %arg4[%dma_wait3A_15, %dma_wait3A_16] : memref<16x4896xf32, #tpu.memory_space<vmem>> -> memref<1x4896xf32, #tpu.memory_space<vmem>>
      tpu.wait_dma2 semaphore(%run_scoped3A : memref<!tpu.dma_semaphore, #tpu.memory_space<semaphore_mem>>) src(%arg2 : memref<1x4896xf32, #tpu.memory_space<hbm>>) dst(%dma_wait3A_17 : memref<1x4896xf32, #tpu.memory_space<vmem>>)
      tpu.yield
    }) : () -> ()
    %scan3A = arith.constant 0 : i32
    %scan3A_3 = arith.constant 0 : i32
    %scan3A_4 = arith.constant 4 : i32
    %scan3A_5 = arith.addi %scan3A_3, %scan3A_4 : i32
    %scan3A_6 = arith.constant 1 : i32
    scf.for %scan3A_8 = %scan3A_3 to %scan3A_5 step %scan3A_6  : i32 {
      %mul3A_9 = arith.constant 8 : i32
      %mul3A_10 = arith.muli %scan3A_8, %mul3A_9 : i32
      %add3A_11 = arith.constant 0 : i32
      %add3A_12 = arith.addi %mul3A_10, %add3A_11 : i32
      %mul3A_13 = arith.constant 16 : i32
      %mul3A_14 = arith.muli %add3A_12, %mul3A_13 : i32
      %add3A_15 = arith.addi %mul3A_2, %mul3A_14 : i32
      %dma_start3A = arith.constant 0 : i32
      %dma_start3A_16 = tpu.memref_slice %arg3[%add3A_15, %dma_start3A] : memref<16384x4896xf32, #tpu.memory_space<hbm>> -> memref<16x4896xf32, #tpu.memory_space<hbm>>
      %dma_start3A_17 = arith.constant 0 : i32
      %dma_start3A_18 = tpu.memref_slice %arg3[%add3A_15, %dma_start3A_17] : memref<16384x4896xf32, #tpu.memory_space<hbm>> -> memref<16x4896xf32, #tpu.memory_space<hbm>>
      tpu.enqueue_dma source(%arg4 : memref<16x4896xf32, #tpu.memory_space<vmem>>) target(%dma_start3A_18 : memref<16x4896xf32, #tpu.memory_space<hbm>>) target_semaphore(%arg5 : memref<!tpu.dma_semaphore, #tpu.memory_space<semaphore_mem>>)
      %mul3A_19 = arith.constant 8 : i32
      %mul3A_20 = arith.muli %scan3A_8, %mul3A_19 : i32
      %add3A_21 = arith.constant 1 : i32
      %add3A_22 = arith.addi %mul3A_20, %add3A_21 : i32
      %mul3A_23 = arith.constant 16 : i32
      %mul3A_24 = arith.muli %add3A_22, %mul3A_23 : i32
      %add3A_25 = arith.addi %mul3A_2, %mul3A_24 : i32
      %dma_start3A_26 = arith.constant 0 : i32
      %dma_start3A_27 = tpu.memref_slice %arg3[%add3A_25, %dma_start3A_26] : memref<16384x4896xf32, #tpu.memory_space<hbm>> -> memref<16x4896xf32, #tpu.memory_space<hbm>>
      %dma_start3A_28 = arith.constant 0 : i32
      %dma_start3A_29 = tpu.memref_slice %arg3[%add3A_25, %dma_start3A_28] : memref<16384x4896xf32, #tpu.memory_space<hbm>> -> memref<16x4896xf32, #tpu.memory_space<hbm>>
      tpu.enqueue_dma source(%arg4 : memref<16x4896xf32, #tpu.memory_space<vmem>>) target(%dma_start3A_29 : memref<16x4896xf32, #tpu.memory_space<hbm>>) target_semaphore(%arg5 : memref<!tpu.dma_semaphore, #tpu.memory_space<semaphore_mem>>)
      %mul3A_30 = arith.constant 8 : i32
      %mul3A_31 = arith.muli %scan3A_8, %mul3A_30 : i32
      %add3A_32 = arith.constant 2 : i32
      %add3A_33 = arith.addi %mul3A_31, %add3A_32 : i32
      %mul3A_34 = arith.constant 16 : i32
      %mul3A_35 = arith.muli %add3A_33, %mul3A_34 : i32
      %add3A_36 = arith.addi %mul3A_2, %mul3A_35 : i32
      %dma_start3A_37 = arith.constant 0 : i32
      %dma_start3A_38 = tpu.memref_slice %arg3[%add3A_36, %dma_start3A_37] : memref<16384x4896xf32, #tpu.memory_space<hbm>> -> memref<16x4896xf32, #tpu.memory_space<hbm>>
      %dma_start3A_39 = arith.constant 0 : i32
      %dma_start3A_40 = tpu.memref_slice %arg3[%add3A_36, %dma_start3A_39] : memref<16384x4896xf32, #tpu.memory_space<hbm>> -> memref<16x4896xf32, #tpu.memory_space<hbm>>
      tpu.enqueue_dma source(%arg4 : memref<16x4896xf32, #tpu.memory_space<vmem>>) target(%dma_start3A_40 : memref<16x4896xf32, #tpu.memory_space<hbm>>) target_semaphore(%arg5 : memref<!tpu.dma_semaphore, #tpu.memory_space<semaphore_mem>>)
      %mul3A_41 = arith.constant 8 : i32
      %mul3A_42 = arith.muli %scan3A_8, %mul3A_41 : i32
      %add3A_43 = arith.constant 3 : i32
      %add3A_44 = arith.addi %mul3A_42, %add3A_43 : i32
      %mul3A_45 = arith.constant 16 : i32
      %mul3A_46 = arith.muli %add3A_44, %mul3A_45 : i32
      %add3A_47 = arith.addi %mul3A_2, %mul3A_46 : i32
      %dma_start3A_48 = arith.constant 0 : i32
      %dma_start3A_49 = tpu.memref_slice %arg3[%add3A_47, %dma_start3A_48] : memref<16384x4896xf32, #tpu.memory_space<hbm>> -> memref<16x4896xf32, #tpu.memory_space<hbm>>
      %dma_start3A_50 = arith.constant 0 : i32
      %dma_start3A_51 = tpu.memref_slice %arg3[%add3A_47, %dma_start3A_50] : memref<16384x4896xf32, #tpu.memory_space<hbm>> -> memref<16x4896xf32, #tpu.memory_space<hbm>>
      tpu.enqueue_dma source(%arg4 : memref<16x4896xf32, #tpu.memory_space<vmem>>) target(%dma_start3A_51 : memref<16x4896xf32, #tpu.memory_space<hbm>>) target_semaphore(%arg5 : memref<!tpu.dma_semaphore, #tpu.memory_space<semaphore_mem>>)
      %mul3A_52 = arith.constant 8 : i32
      %mul3A_53 = arith.muli %scan3A_8, %mul3A_52 : i32
      %add3A_54 = arith.constant 4 : i32
      %add3A_55 = arith.addi %mul3A_53, %add3A_54 : i32
      %mul3A_56 = arith.constant 16 : i32
      %mul3A_57 = arith.muli %add3A_55, %mul3A_56 : i32
      %add3A_58 = arith.addi %mul3A_2, %mul3A_57 : i32
      %dma_start3A_59 = arith.constant 0 : i32
      %dma_start3A_60 = tpu.memref_slice %arg3[%add3A_58, %dma_start3A_59] : memref<16384x4896xf32, #tpu.memory_space<hbm>> -> memref<16x4896xf32, #tpu.memory_space<hbm>>
      %dma_start3A_61 = arith.constant 0 : i32
      %dma_start3A_62 = tpu.memref_slice %arg3[%add3A_58, %dma_start3A_61] : memref<16384x4896xf32, #tpu.memory_space<hbm>> -> memref<16x4896xf32, #tpu.memory_space<hbm>>
      tpu.enqueue_dma source(%arg4 : memref<16x4896xf32, #tpu.memory_space<vmem>>) target(%dma_start3A_62 : memref<16x4896xf32, #tpu.memory_space<hbm>>) target_semaphore(%arg5 : memref<!tpu.dma_semaphore, #tpu.memory_space<semaphore_mem>>)
      %mul3A_63 = arith.constant 8 : i32
      %mul3A_64 = arith.muli %scan3A_8, %mul3A_63 : i32
      %add3A_65 = arith.constant 5 : i32
      %add3A_66 = arith.addi %mul3A_64, %add3A_65 : i32
      %mul3A_67 = arith.constant 16 : i32
      %mul3A_68 = arith.muli %add3A_66, %mul3A_67 : i32
      %add3A_69 = arith.addi %mul3A_2, %mul3A_68 : i32
      %dma_start3A_70 = arith.constant 0 : i32
      %dma_start3A_71 = tpu.memref_slice %arg3[%add3A_69, %dma_start3A_70] : memref<16384x4896xf32, #tpu.memory_space<hbm>> -> memref<16x4896xf32, #tpu.memory_space<hbm>>
      %dma_start3A_72 = arith.constant 0 : i32
      %dma_start3A_73 = tpu.memref_slice %arg3[%add3A_69, %dma_start3A_72] : memref<16384x4896xf32, #tpu.memory_space<hbm>> -> memref<16x4896xf32, #tpu.memory_space<hbm>>
      tpu.enqueue_dma source(%arg4 : memref<16x4896xf32, #tpu.memory_space<vmem>>) target(%dma_start3A_73 : memref<16x4896xf32, #tpu.memory_space<hbm>>) target_semaphore(%arg5 : memref<!tpu.dma_semaphore, #tpu.memory_space<semaphore_mem>>)
      %mul3A_74 = arith.constant 8 : i32
      %mul3A_75 = arith.muli %scan3A_8, %mul3A_74 : i32
      %add3A_76 = arith.constant 6 : i32
      %add3A_77 = arith.addi %mul3A_75, %add3A_76 : i32
      %mul3A_78 = arith.constant 16 : i32
      %mul3A_79 = arith.muli %add3A_77, %mul3A_78 : i32
      %add3A_80 = arith.addi %mul3A_2, %mul3A_79 : i32
      %dma_start3A_81 = arith.constant 0 : i32
      %dma_start3A_82 = tpu.memref_slice %arg3[%add3A_80, %dma_start3A_81] : memref<16384x4896xf32, #tpu.memory_space<hbm>> -> memref<16x4896xf32, #tpu.memory_space<hbm>>
      %dma_start3A_83 = arith.constant 0 : i32
      %dma_start3A_84 = tpu.memref_slice %arg3[%add3A_80, %dma_start3A_83] : memref<16384x4896xf32, #tpu.memory_space<hbm>> -> memref<16x4896xf32, #tpu.memory_space<hbm>>
      tpu.enqueue_dma source(%arg4 : memref<16x4896xf32, #tpu.memory_space<vmem>>) target(%dma_start3A_84 : memref<16x4896xf32, #tpu.memory_space<hbm>>) target_semaphore(%arg5 : memref<!tpu.dma_semaphore, #tpu.memory_space<semaphore_mem>>)
      %mul3A_85 = arith.constant 8 : i32
      %mul3A_86 = arith.muli %scan3A_8, %mul3A_85 : i32
      %add3A_87 = arith.constant 7 : i32
      %add3A_88 = arith.addi %mul3A_86, %add3A_87 : i32
      %mul3A_89 = arith.constant 16 : i32
      %mul3A_90 = arith.muli %add3A_88, %mul3A_89 : i32
      %add3A_91 = arith.addi %mul3A_2, %mul3A_90 : i32
      %dma_start3A_92 = arith.constant 0 : i32
      %dma_start3A_93 = tpu.memref_slice %arg3[%add3A_91, %dma_start3A_92] : memref<16384x4896xf32, #tpu.memory_space<hbm>> -> memref<16x4896xf32, #tpu.memory_space<hbm>>
      %dma_start3A_94 = arith.constant 0 : i32
      %dma_start3A_95 = tpu.memref_slice %arg3[%add3A_91, %dma_start3A_94] : memref<16384x4896xf32, #tpu.memory_space<hbm>> -> memref<16x4896xf32, #tpu.memory_space<hbm>>
      tpu.enqueue_dma source(%arg4 : memref<16x4896xf32, #tpu.memory_space<vmem>>) target(%dma_start3A_95 : memref<16x4896xf32, #tpu.memory_space<hbm>>) target_semaphore(%arg5 : memref<!tpu.dma_semaphore, #tpu.memory_space<semaphore_mem>>)
      %dma_wait3A = arith.constant 0 : i32
      %dma_wait3A_96 = tpu.memref_slice %arg3[%add3A_15, %dma_wait3A] : memref<16384x4896xf32, #tpu.memory_space<hbm>> -> memref<16x4896xf32, #tpu.memory_space<hbm>>
      %dma_wait3A_97 = arith.constant 0 : i32
      %dma_wait3A_98 = tpu.memref_slice %arg3[%add3A_15, %dma_wait3A_97] : memref<16384x4896xf32, #tpu.memory_space<hbm>> -> memref<16x4896xf32, #tpu.memory_space<hbm>>
      tpu.wait_dma2 semaphore(%arg5 : memref<!tpu.dma_semaphore, #tpu.memory_space<semaphore_mem>>) src(%arg4 : memref<16x4896xf32, #tpu.memory_space<vmem>>) dst(%dma_wait3A_98 : memref<16x4896xf32, #tpu.memory_space<hbm>>)
      %dma_wait3A_99 = arith.constant 0 : i32
      %dma_wait3A_100 = tpu.memref_slice %arg3[%add3A_25, %dma_wait3A_99] : memref<16384x4896xf32, #tpu.memory_space<hbm>> -> memref<16x4896xf32, #tpu.memory_space<hbm>>
      %dma_wait3A_101 = arith.constant 0 : i32
      %dma_wait3A_102 = tpu.memref_slice %arg3[%add3A_25, %dma_wait3A_101] : memref<16384x4896xf32, #tpu.memory_space<hbm>> -> memref<16x4896xf32, #tpu.memory_space<hbm>>
      tpu.wait_dma2 semaphore(%arg5 : memref<!tpu.dma_semaphore, #tpu.memory_space<semaphore_mem>>) src(%arg4 : memref<16x4896xf32, #tpu.memory_space<vmem>>) dst(%dma_wait3A_102 : memref<16x4896xf32, #tpu.memory_space<hbm>>)
      %dma_wait3A_103 = arith.constant 0 : i32
      %dma_wait3A_104 = tpu.memref_slice %arg3[%add3A_36, %dma_wait3A_103] : memref<16384x4896xf32, #tpu.memory_space<hbm>> -> memref<16x4896xf32, #tpu.memory_space<hbm>>
      %dma_wait3A_105 = arith.constant 0 : i32
      %dma_wait3A_106 = tpu.memref_slice %arg3[%add3A_36, %dma_wait3A_105] : memref<16384x4896xf32, #tpu.memory_space<hbm>> -> memref<16x4896xf32, #tpu.memory_space<hbm>>
      tpu.wait_dma2 semaphore(%arg5 : memref<!tpu.dma_semaphore, #tpu.memory_space<semaphore_mem>>) src(%arg4 : memref<16x4896xf32, #tpu.memory_space<vmem>>) dst(%dma_wait3A_106 : memref<16x4896xf32, #tpu.memory_space<hbm>>)
      %dma_wait3A_107 = arith.constant 0 : i32
      %dma_wait3A_108 = tpu.memref_slice %arg3[%add3A_47, %dma_wait3A_107] : memref<16384x4896xf32, #tpu.memory_space<hbm>> -> memref<16x4896xf32, #tpu.memory_space<hbm>>
      %dma_wait3A_109 = arith.constant 0 : i32
      %dma_wait3A_110 = tpu.memref_slice %arg3[%add3A_47, %dma_wait3A_109] : memref<16384x4896xf32, #tpu.memory_space<hbm>> -> memref<16x4896xf32, #tpu.memory_space<hbm>>
      tpu.wait_dma2 semaphore(%arg5 : memref<!tpu.dma_semaphore, #tpu.memory_space<semaphore_mem>>) src(%arg4 : memref<16x4896xf32, #tpu.memory_space<vmem>>) dst(%dma_wait3A_110 : memref<16x4896xf32, #tpu.memory_space<hbm>>)
      %dma_wait3A_111 = arith.constant 0 : i32
      %dma_wait3A_112 = tpu.memref_slice %arg3[%add3A_58, %dma_wait3A_111] : memref<16384x4896xf32, #tpu.memory_space<hbm>> -> memref<16x4896xf32, #tpu.memory_space<hbm>>
      %dma_wait3A_113 = arith.constant 0 : i32
      %dma_wait3A_114 = tpu.memref_slice %arg3[%add3A_58, %dma_wait3A_113] : memref<16384x4896xf32, #tpu.memory_space<hbm>> -> memref<16x4896xf32, #tpu.memory_space<hbm>>
      tpu.wait_dma2 semaphore(%arg5 : memref<!tpu.dma_semaphore, #tpu.memory_space<semaphore_mem>>) src(%arg4 : memref<16x4896xf32, #tpu.memory_space<vmem>>) dst(%dma_wait3A_114 : memref<16x4896xf32, #tpu.memory_space<hbm>>)
      %dma_wait3A_115 = arith.constant 0 : i32
      %dma_wait3A_116 = tpu.memref_slice %arg3[%add3A_69, %dma_wait3A_115] : memref<16384x4896xf32, #tpu.memory_space<hbm>> -> memref<16x4896xf32, #tpu.memory_space<hbm>>
      %dma_wait3A_117 = arith.constant 0 : i32
      %dma_wait3A_118 = tpu.memref_slice %arg3[%add3A_69, %dma_wait3A_117] : memref<16384x4896xf32, #tpu.memory_space<hbm>> -> memref<16x4896xf32, #tpu.memory_space<hbm>>
      tpu.wait_dma2 semaphore(%arg5 : memref<!tpu.dma_semaphore, #tpu.memory_space<semaphore_mem>>) src(%arg4 : memref<16x4896xf32, #tpu.memory_space<vmem>>) dst(%dma_wait3A_118 : memref<16x4896xf32, #tpu.memory_space<hbm>>)
      %dma_wait3A_119 = arith.constant 0 : i32
      %dma_wait3A_120 = tpu.memref_slice %arg3[%add3A_80, %dma_wait3A_119] : memref<16384x4896xf32, #tpu.memory_space<hbm>> -> memref<16x4896xf32, #tpu.memory_space<hbm>>
      %dma_wait3A_121 = arith.constant 0 : i32
      %dma_wait3A_122 = tpu.memref_slice %arg3[%add3A_80, %dma_wait3A_121] : memref<16384x4896xf32, #tpu.memory_space<hbm>> -> memref<16x4896xf32, #tpu.memory_space<hbm>>
      tpu.wait_dma2 semaphore(%arg5 : memref<!tpu.dma_semaphore, #tpu.memory_space<semaphore_mem>>) src(%arg4 : memref<16x4896xf32, #tpu.memory_space<vmem>>) dst(%dma_wait3A_122 : memref<16x4896xf32, #tpu.memory_space<hbm>>)
      %dma_wait3A_123 = arith.constant 0 : i32
      %dma_wait3A_124 = tpu.memref_slice %arg3[%add3A_91, %dma_wait3A_123] : memref<16384x4896xf32, #tpu.memory_space<hbm>> -> memref<16x4896xf32, #tpu.memory_space<hbm>>
      %dma_wait3A_125 = arith.constant 0 : i32
      %dma_wait3A_126 = tpu.memref_slice %arg3[%add3A_91, %dma_wait3A_125] : memref<16384x4896xf32, #tpu.memory_space<hbm>> -> memref<16x4896xf32, #tpu.memory_space<hbm>>
      tpu.wait_dma2 semaphore(%arg5 : memref<!tpu.dma_semaphore, #tpu.memory_space<semaphore_mem>>) src(%arg4 : memref<16x4896xf32, #tpu.memory_space<vmem>>) dst(%dma_wait3A_126 : memref<16x4896xf32, #tpu.memory_space<hbm>>)
    }
    %scan3A_7 = arith.constant 4 : i32
    return
  }
}

module attributes {stable_mosaic.version = 14 : i64} {
  func.func @_tile_kernel(%arg0: memref<512x16xf32, #tpu.memory_space<vmem>>, %arg1: memref<16x64xf32, #tpu.memory_space<vmem>>, %arg2: memref<1x64xf32, #tpu.memory_space<vmem>>, %arg3: memref<64x16xf32, #tpu.memory_space<vmem>>, %arg4: memref<1x16xf32, #tpu.memory_space<vmem>>, %arg5: memref<1x16xf32, #tpu.memory_space<vmem>>, %arg6: memref<306x16xf32, #tpu.memory_space<vmem>>) attributes {dimension_semantics = [], scalar_prefetch = 0 : i64, scratch_operands = 0 : i64, tpu.core_type = #tpu.core_type<tc>} {
    %get3A = arith.constant 0 : index
    %get3A_0 = arith.constant 0 : index
    %get3A_1 = vector.load %arg0[%get3A, %get3A_0] : memref<512x16xf32, #tpu.memory_space<vmem>>, vector<306x16xf32>
    %get3A_2 = arith.constant 0 : index
    %get3A_3 = arith.constant 0 : index
    %get3A_4 = vector.load %arg1[%get3A_2, %get3A_3] : memref<16x64xf32, #tpu.memory_space<vmem>>, vector<16x64xf32>
    %dot_general3A = arith.constant dense<0.000000e+00> : vector<306x64xf32>
    %dot_general3A_5 = tpu.matmul %get3A_1, %get3A_4, %dot_general3A {dimension_numbers = #tpu.dot_dimension_numbers<[1], [0], [0], [1], [0, 0, 1, 1], [], []>, transpose_lhs_hint = false} : vector<306x16xf32>, vector<16x64xf32>, vector<306x64xf32> -> vector<306x64xf32>
    %get3A_6 = arith.constant 0 : index
    %get3A_7 = arith.constant 0 : index
    %get3A_8 = vector.load %arg2[%get3A_6, %get3A_7] : memref<1x64xf32, #tpu.memory_space<vmem>>, vector<1x64xf32>
    %add3A = vector.broadcast %get3A_8 : vector<1x64xf32> to vector<306x64xf32>
    %add3A_9 = arith.addf %dot_general3A_5, %add3A : vector<306x64xf32>
    %integer_pow3A = arith.mulf %add3A_9, %add3A_9 : vector<306x64xf32>
    %integer_pow3A_10 = arith.mulf %add3A_9, %integer_pow3A : vector<306x64xf32>
    %mul3A = arith.constant 4.471500e-02 : f32
    %mul3A_11 = vector.broadcast %mul3A : f32 to vector<306x64xf32>
    %mul3A_12 = arith.mulf %mul3A_11, %integer_pow3A_10 : vector<306x64xf32>
    %add3A_13 = arith.addf %add3A_9, %mul3A_12 : vector<306x64xf32>
    %mul3A_14 = arith.constant 0.797884583 : f32
    %mul3A_15 = vector.broadcast %mul3A_14 : f32 to vector<306x64xf32>
    %mul3A_16 = arith.mulf %mul3A_15, %add3A_13 : vector<306x64xf32>
    %tanh3A = math.tanh %mul3A_16 : vector<306x64xf32>
    %add3A_17 = arith.constant 1.000000e+00 : f32
    %add3A_18 = vector.broadcast %add3A_17 : f32 to vector<306x64xf32>
    %add3A_19 = arith.addf %add3A_18, %tanh3A : vector<306x64xf32>
    %mul3A_20 = arith.constant 5.000000e-01 : f32
    %mul3A_21 = vector.broadcast %mul3A_20 : f32 to vector<306x64xf32>
    %mul3A_22 = arith.mulf %mul3A_21, %add3A_19 : vector<306x64xf32>
    %mul3A_23 = arith.mulf %add3A_9, %mul3A_22 : vector<306x64xf32>
    %get3A_24 = arith.constant 0 : index
    %get3A_25 = arith.constant 0 : index
    %get3A_26 = vector.load %arg3[%get3A_24, %get3A_25] : memref<64x16xf32, #tpu.memory_space<vmem>>, vector<64x16xf32>
    %dot_general3A_27 = arith.constant dense<0.000000e+00> : vector<306x16xf32>
    %dot_general3A_28 = tpu.matmul %mul3A_23, %get3A_26, %dot_general3A_27 {dimension_numbers = #tpu.dot_dimension_numbers<[1], [0], [0], [1], [0, 0, 1, 1], [], []>, transpose_lhs_hint = false} : vector<306x64xf32>, vector<64x16xf32>, vector<306x16xf32> -> vector<306x16xf32>
    %get3A_29 = arith.constant 0 : index
    %get3A_30 = arith.constant 0 : index
    %get3A_31 = vector.load %arg4[%get3A_29, %get3A_30] : memref<1x16xf32, #tpu.memory_space<vmem>>, vector<1x16xf32>
    %add3A_32 = vector.broadcast %get3A_31 : vector<1x16xf32> to vector<306x16xf32>
    %add3A_33 = arith.addf %dot_general3A_28, %add3A_32 : vector<306x16xf32>
    %add3A_34 = arith.addf %get3A_1, %add3A_33 : vector<306x16xf32>
    %mul3A_35 = arith.mulf %add3A_34, %add3A_34 : vector<306x16xf32>
    %reduce_sum3A = arith.constant dense<0.000000e+00> : vector<306xf32>
    %reduce_sum3A_36 = vector.multi_reduction <add>, %mul3A_35, %reduce_sum3A [1] : vector<306x16xf32> to vector<306xf32>
    %broadcast_in_dim3A = vector.shape_cast %reduce_sum3A_36 : vector<306xf32> to vector<306x1xf32>
    %div3A = arith.constant 1.600000e+01 : f32
    %div3A_37 = vector.broadcast %div3A : f32 to vector<306x1xf32>
    %div3A_38 = arith.divf %broadcast_in_dim3A, %div3A_37 : vector<306x1xf32>
    %add3A_39 = arith.constant 9.99999997E-7 : f32
    %add3A_40 = vector.broadcast %add3A_39 : f32 to vector<306x1xf32>
    %add3A_41 = arith.addf %div3A_38, %add3A_40 : vector<306x1xf32>
    %rsqrt3A = math.rsqrt %add3A_41 : vector<306x1xf32>
    %mul3A_42 = vector.broadcast %rsqrt3A : vector<306x1xf32> to vector<306x16xf32>
    %mul3A_43 = arith.mulf %add3A_34, %mul3A_42 : vector<306x16xf32>
    %get3A_44 = arith.constant 0 : index
    %get3A_45 = arith.constant 0 : index
    %get3A_46 = vector.load %arg5[%get3A_44, %get3A_45] : memref<1x16xf32, #tpu.memory_space<vmem>>, vector<1x16xf32>
    %mul3A_47 = vector.broadcast %get3A_46 : vector<1x16xf32> to vector<306x16xf32>
    %mul3A_48 = arith.mulf %mul3A_43, %mul3A_47 : vector<306x16xf32>
    %swap3A = arith.constant 0 : index
    %swap3A_49 = arith.constant 0 : index
    %swap3A_50 = vector.load %arg6[%swap3A, %swap3A_49] : memref<306x16xf32, #tpu.memory_space<vmem>>, vector<306x16xf32>
    tpu.vector_store %arg6[%swap3A, %swap3A_49], %mul3A_48 {strides = array<i32>} : memref<306x16xf32, #tpu.memory_space<vmem>>, vector<306x16xf32>,
    return
  }
}

</mosaic_0001>

<sc_bundles>
// kernel: kernel.4.cloned.1.call-start
scs
__scs_entry_jumppad:
0x0: {  	(pc) =	sbr.rel $0x88, $3  }
0x1: {  	(tag) =	ssettag $0x0;
	lr =	simm.s32 $0x1  }
0x2: {  	[smem:$0x3F9B] =	sst lr;
	_ =	strace $0xD0000000  }
0x3: {  	_ = 	snop  }
0x4: {  	_ = 	snop  }
0x5: {  	_ = 	snop  }
0x6: {  	_ = 	snop  }
0x7: {  	_ = 	snop  }
__scs_overlays_trampoline_lowered:
0x8: {  	[smem:$0x3FAA] =	sst s0  }
0x9: {  	[smem:$0x3FAB] =	sst s1  }
0xa: {  	[smem:$0x3FAC] =	sst s2  }
0xb: {  	[smem:$0x3FAD] =	sst s3  }
0xc: {  	[smem:$0x3FAE] =	sst s4  }
0xd: {  	[smem:$0x3FAF] =	sst s5  }
0xe: {  	[smem:$0x3FB0] =	sst s6  }
0xf: {  	[smem:$0x3FB1] =	sst s7  }
0x10: {  	[smem:$0x3FB2] =	sst s8  }
0x11: {  	[smem:$0x3FB3] =	sst s9;
	s0 =	simm.s32 @!p0 $0x0  }
0x12: {  	s1 =	sld [smem:$0x3F99];
	s0 =	simm.s32 @p0 $0x1  }
0x13: {  	[smem:$0x3FB4] =	sst s0;
	s0 =	simm.s32 @!p1 $0x0  }
0x14: {  	s2 =	sld [smem:$0x3F98];
	s0 =	simm.s32 @p1 $0x1  }
0x15: {  	[smem:$0x3FB5] =	sst s0;
	s0 =	simm.s32 @!p2 $0x0  }
0x16: {  	s3 =	sld [smem:$0x3FDB];
	s0 =	simm.s32 @p2 $0x1  }
0x17: {  	s4 =	simm.s32 $0x1BF5;
	[smem:$0x3FB7] =	sst s0  }
0x18: {  	s0 =	sld [smem:$0x3F9A];
	_ =	swait.ge [sflag:s4], $0x0  }
0x19: {  	s7 =	sld [smem:$0x3F9B]  }
0x1a: {  	s8 =	sadd.s32 $0xFFFFE003, lr  }
0x1b: {  	s9 =	sadd.s32 $0xFFFFFEF7, lr;
	s5 =	simm.s32 $0xFFFFFFFF;
	p2 =	slt.u32 s8, $0xFFFFF086  }
0x1c: {  	p1 =	slt.u32 s9, $0xF7A;
	s5 =	simm.s32 @!p2 $0x0  }
0x1d: {  	s5 =	simm.s32 @p1 $0x1;
	p0 =	seq.s32 s7, s2  }
0x1e: {  	s7 =	smul.u32 @!p0 $0xF7A, s2;
	p2 =	seq.s32 @!p0 s5, $0x0  }
0x1f: {  	s9 =	smul.u32 $0xF7A, s1;
	s8 =	simm.s32 @!p0 $0x1BF5;
	p2 =	por !p2, p0  }
0x20: {  	[sflag:s8] =	ssyncset.s32 @!p0 $0xFFFFF086;
	s6 =	sadd.s32 @!p0 s3, s7;
	s7 =	simm.s32 @!p0 $0x108  }
0x21: {  	s3 =	sadd.s32 s3, s9;
	s6 =	sadd.s32 @!p0 $0x88, s6;
	s7 =	simm.s32 @p2 $0x1082  }
0x22: {  	[simem:s7], [sflag:s8] =	dma.local @!p0 [hbm:s6], $0xF7A  }
0x23: {  	s9 =	sor.u32 $0xD0000000, s2;
	s6 =	simm.s32 $0x108;
	_ =	swait.ge @!p0 [sflag:s8], $0x0  }
0x24: {  	s3 =	sadd.s32 $0x88, s3;
	s6 =	simm.s32 @!p1 $0x1082;
	[sflag:s4] =	ssyncset.s32 $0xFFFFF086  }
0x25: {  	[simem:s6], [sflag:s4] =	dma.local [hbm:s3], $0xF7A  }
0x26: {  	[smem:$0x3F9B] =	sst s1;
	(tag) =	ssettag s2;
	_ =	strace s9  }
0x27: {  	s1 =	sld [smem:$0x3FAB]  }
0x28: {  	s2 =	sld [smem:$0x3FAC]  }
0x29: {  	s4 =	sld [smem:$0x3FAE]  }
0x2a: {  	p0 =	seq.s32 s5, $0x0;
	s5 =	sld [smem:$0x3FAF]  }
0x2b: {  	s6 =	sld [smem:$0x3FB0]  }
0x2c: {  	s7 =	sld [smem:$0x3FB1]  }
0x2d: {  	s3 =	simm.s32 $0x108;
	s8 =	sld [smem:$0x3FB2]  }
0x2e: {  	s3 =	simm.s32 @!p0 $0x1082;
	s9 =	sld [smem:$0x3FB3]  }
0x2f: {  	lr =	sadd.s32 s0, s3;
	s0 =	sld [smem:$0x3FAA]  }
0x30: {  	s3 =	sld [smem:$0x3FAD]  }
0x31: {  	[smem:$0x3FB6] =	sst s10  }
0x32: {  	s10 =	sld [smem:$0x3FB4];
	_ =	sdelay $0x3  }
0x33: {  	p0 =	seq.s32 s10, $0x1;
	s10 =	sld [smem:$0x3FB6];
	_ =	sdelay $0x3  }
0x34: {  	[smem:$0x3FB6] =	sst s10  }
0x35: {  	s10 =	sld [smem:$0x3FB5];
	_ =	sdelay $0x3  }
0x36: {  	p1 =	seq.s32 s10, $0x1;
	s10 =	sld [smem:$0x3FB6];
	_ =	sdelay $0x3  }
0x37: {  	[smem:$0x3FB6] =	sst s10  }
0x38: {  	s10 =	sld [smem:$0x3FB7]  }
0x39: {  	_ = 	snop;
	(pc) =	sbr.ind lr, $3  }
0x3a: {  	_ = 	snop  }
0x3b: {  	_ = 	snop  }
0x3c: {  	p2 =	seq.s32 s10, $0x1;
	s10 =	sld [smem:$0x3FB6]  }
0x3d: {  	_ =	shalt  }
0x3e: {  	_ =	shalt  }
0x3f: {  	_ =	shalt  }
0x40: {  	_ =	shalt  }
0x41: {  	_ =	shalt  }
0x42: {  	_ =	shalt  }
0x43: {  	_ =	shalt  }
0x44: {  	_ =	shalt  }
0x45: {  	_ =	shalt  }
0x46: {  	_ =	shalt  }
0x47: {  	_ =	shalt  }
0x48: {  	_ =	shalt  }
0x49: {  	_ =	shalt  }
0x4a: {  	_ =	shalt  }
0x4b: {  	_ =	shalt  }
0x4c: {  	_ =	shalt  }
0x4d: {  	_ =	shalt  }
0x4e: {  	_ =	shalt  }
0x4f: {  	_ =	shalt  }
0x50: {  	_ =	shalt  }
0x51: {  	_ =	shalt  }
0x52: {  	_ =	shalt  }
0x53: {  	_ =	shalt  }
0x54: {  	_ =	shalt  }
0x55: {  	_ =	shalt  }
0x56: {  	_ =	shalt  }
0x57: {  	_ =	shalt  }
0x58: {  	_ =	shalt  }
0x59: {  	_ =	shalt  }
0x5a: {  	_ =	shalt  }
0x5b: {  	_ =	shalt  }
0x5c: {  	_ =	shalt  }
0x5d: {  	_ =	shalt  }
0x5e: {  	_ =	shalt  }
0x5f: {  	_ =	shalt  }
0x60: {  	_ =	shalt  }
0x61: {  	_ =	shalt  }
0x62: {  	_ =	shalt  }
0x63: {  	_ =	shalt  }
0x64: {  	_ =	shalt  }
0x65: {  	_ =	shalt  }
0x66: {  	_ =	shalt  }
0x67: {  	_ =	shalt  }
0x68: {  	_ =	shalt  }
0x69: {  	_ =	shalt  }
0x6a: {  	_ =	shalt  }
0x6b: {  	_ =	shalt  }
0x6c: {  	_ =	shalt  }
0x6d: {  	_ =	shalt  }
0x6e: {  	_ =	shalt  }
0x6f: {  	_ =	shalt  }
0x70: {  	_ =	shalt  }
0x71: {  	_ =	shalt  }
0x72: {  	_ =	shalt  }
0x73: {  	_ =	shalt  }
0x74: {  	_ =	shalt  }
0x75: {  	_ =	shalt  }
0x76: {  	_ =	shalt  }
0x77: {  	_ =	shalt  }
0x78: {  	_ =	shalt  }
0x79: {  	_ =	shalt  }
0x7a: {  	_ =	shalt  }
0x7b: {  	_ =	shalt  }
0x7c: {  	_ =	shalt  }
0x7d: {  	_ =	shalt  }
0x7e: {  	_ =	shalt  }
0x7f: {  	_ =	shalt  }
0x80: {  	_ =	shalt  }
0x81: {  	_ =	shalt  }
0x82: {  	_ =	shalt  }
0x83: {  	_ =	shalt  }
0x84: {  	_ =	shalt  }
0x85: {  	_ =	shalt  }
0x86: {  	_ =	shalt  }
0x87: {  	_ =	shalt  }
.Lfunc_end0:
.L_simem_size_0:
called_computation_lowered:
.L_overlay_start_0:
0x88: {  	s2 =	sld [smem:$0x3FD9]  }
0x89: {  	s3 =	sld [smem:$0x3FFE];
	_ =	sdelay $0x1  }
0x8a: {  	s1 =	srdreg.scid  }
0x8b: {  	s0 =	sand.u32 $0x1, s1  }
0x8c: {  	s17 =	sshll.u32 s0, $0xA;
	s2 =	sadd.s32 s3, s2  }
0x8d: {  	s2 =	sadd.s32 s2, s17  }
0x8e: {  	[smem:$0x3FC2] =	sst s2  }
0x8f: {  	_ = 	snop  }
0x90: {  	s2 =	sld [smem:$0x3FD0];
	(tm) =	ssettm $0x1  }
0x91: {  	s18 =	sld [smem:$0x3FFB];
	_ =	sdelay $0x3  }
0x92: {  	_ =	strace s18  }
0x93: {  	s3 =	sld [smem:$0x3FFC];
	_ =	sdelay $0x3  }
0x94: {  	_ =	strace s3  }
0x95: {  	s3 =	sld [smem:$0x3FFD];
	_ =	sdelay $0x3  }
0x96: {  	_ =	strace s3  }
0x97: {  	_ =	strace $0x8FFFFFFF  }
0x98: {  	s19 =	sld [smem:$0x3FDB];
	_ =	sdelay $0x1  }
0x99: {  	s4 =	simm.s32 $_scs_section_size  }
0x9a: {  	s5 =	simm.s32 $_size__tile_overlayer_lowered;
	s6 =	simm.s32 $_tile_overlayer_lowered  }
0x9b: {  	s22 =	simm.s32 $0x1BFF;
	s21 =	sshll.u32 s6, $0x1;
	s3 =	sadd.s32 s4, s19  }
0x9c: {  	s7 =	simm.s32 $0x0;
	s20 =	sshll.u32 s5, $0x1;
	s5 =	sadd.s32 s21, s3  }
0x9d: {  	[timem:s7], [sflag:s22] =	dma.local [hbm:s5], s20  }
0x9e: {  	_ =	swait.ge [sflag:s22], s20  }
0x9f: {  	s4 =	ssub.s32 $0x0, s20;
	[sflag:s22] =	ssyncset.done $0x0  }
0xa0: {  	[sflag:s22] =	ssyncadd.s32 s4;
	_ =	sdelay $0x1  }
0xa1: {  	s23 =	simm.s32 $0x1B8B  }
0xa2: {  	_ =	swait.ge [sflag:s23], $0x1  }
0xa3: {  	[sflag:s23] =	ssyncset.done $0x0  }
0xa4: {  	s25 =	simm.s32 $0x1B8E;
	s24 =	sld [smem:$0x3FFE];
	[sflag:s23] =	ssyncadd.s32 $0xFFFFFFFF  }
0xa5: {  	s26 =	simm.s32 $execute0_lowered;
	[smem:$0x3FD2] =	sst s25  }
0xa6: {  	s5 =	sshll.u32 s26, $0x1;
	_ =	strace $0x80000046;
	[dreg:$0x1] =	wrdreg $0xFFFFFFFF  }
0xa7: {  	s28 =	simm.s32 $_size_execute0_lowered;
	s3 =	sadd.s32 s3, s5;
	[dreg:$0x0] =	wrdreg $0x0  }
0xa8: {  	s5 =	sshll.u32 s28, $0x1;
	[dreg:$0x2] =	wrdreg s3  }
0xa9: {  	[dreg:$0x3] =	wrdreg s5  }
0xaa: {  	[dreg:$0x4] =	wrdreg $0xC0  }
0xab: {  	_ =	task [dreg:s7], $0x5FFFF  }
0xac: {  	[dreg:$0x1] =	wrdreg $0xFFFFFFFF  }
0xad: {  	[dreg:$0x0] =	wrdreg $0x60  }
0xae: {  	[dreg:$0x2] =	wrdreg s2  }
0xaf: {  	[dreg:$0x3] =	wrdreg s24  }
0xb0: {  	[dreg:$0x4] =	wrdreg $0x9  }
0xb1: {  	_ =	task.clear_ibuf [dreg:s7], $0x5FFFF;
	_ =	strace $0x90000046  }
0xb2: {  	s29 =	simm.s32 $0x9;
	_ =	strace $0x80000048  }
0xb3: {  	_ =	swait.ge [sflag:s29], $0x1  }
0xb4: {  	[sflag:s29] =	ssyncadd.s32 $0xFFFFFFFF  }
0xb5: {  	_ =	strace $0x90000048  }
0xb6: {  	_ =	sfence  }
0xb7: {  	s30 =	sld [smem:$0x0];
	_ =	sdelay $0x2  }
0xb8: {  	s31 =	sshll.u32 s1, $0xD;
	s1 =	sshrl.u32 s1, $0x2  }
0xb9: {  	s3 =	sand.u32 $0x4000, s31;
	s1 =	sadd.s32 s1, s30  }
0xba: {  	s0 =	sor.u32 s3, s0;
	s1 =	sshll.u32 s1, $0x11  }
0xbb: {  	s0 =	sor.u32 s1, s0  }
0xbc: {  	s0 =	sadd.s32 $0x8F2B, s0  }
0xbd: {  	[sflag:s0] =	ssyncadd.remote.s32 $0x1  }
0xbe: {  	_ =	sfence.sel $0xFFFF  }
0xbf: {  	[dreg:$0x0] =	wrdreg $0xFFFFFFFF;
	(pc) =	sbr.abs _section_cstart, $3  }
0xc0: {  	[dreg:$0x1] =	wrdreg $0xFFFFFFFF  }
0xc1: {  	_ =	task.clear_ibuf [dreg:s7], $0x2FFFF;
	_ =	strace $0x9FFFFFFF  }
0xc2: {  	(tm) =	ssettm $0x7FFFFFFF  }
0xc3: {  	_ =	shalt  }
tec
execute0_lowered:
.L_overlay_start_1:
0x0: {  	(tag) =	ssettag $0x1  }
0x1: {  	s1 =	srdreg.scid  }
0x2: {  	s0 =	stileid.u32;
	s1 =	sand.u32 $0x1, s1  }
0x3: {  	s2 =	sshll.u32 s0, $0xA;
	s3 =	sshll.u32 s1, $0x9  }
0x4: {  	s4 =	rddreg [dreg:$0x1];
	s8 =	simm.s32 $0x0;
	s3 =	sor.u32 s3, s2  }
0x5: {  	s6 =	ssub.s32 $0x2, s1;
	s1 =	rddreg [dreg:$0x2];
	s3 =	sshrl.u32 s3, $0x3  }
0x6: {  	s2 =	rddreg [dreg:$0x0];
	s7 =	sshrl.u32 s6, $0x1;
	s5 =	smul.u32 $0x1380, s3  }
0x7: {  	s31 =	ssub.s32 s6, s7;
	s6 =	simm.s32 $0x2;
	s3 =	simm.s32 $0x0  }
0x8: {  	s7 =	simm.s32 $0x1;
	[smem:$0x7FF] =	sst s3;
	s5 =	sadd.s32 s5, s4  }
0x9: {  	_ =	strace $0x80000047;
	s4 =	smax.u32 s31, $0x1;
	s5 =	sadd.s32 $0xC00, s5  }
.LBB2_1:
0xa: {  	s9 =	simm.s32 $0x10  }
0xb: {  	s12 =	sadd.s32 $0x0, s2;
	s10 =	simm.s32 $0x400;
	s11 =	simm.s32 $0x0  }
.LBB2_2:
0xc: {  	[tilespmem:s11], [sflag:$0x2] =	stream.linear.gather [hbm4b:s12+s3], $0x80, $0x38;
	[tilespmem:$0x13800] =	vst v63  }
0xd: {  	s12 =	smov.u32 s9;
	s11 =	smov.u32 s10;
	p0 =	sne.s32 s9, $0x260  }
.Ltmp0:
0xe: {  	s9 =	sadd.s32 $0x10, s9;
	(pc) =	sbr.rel @p0 .LBB2_2-.Ltmp0, $2  }
0xf: {  	_ =	sdelay $0x2  }
0x10: {  	s10 =	sadd.s32 $0x400, s10;
	s12 =	sadd.s32 s12, s2  }
0x11: {  	[tilespmem:s11], [sflag:$0x2] =	stream.linear.gather [hbm4b:s12+s3], $0x80, $0x38;
	[tilespmem:$0x13800] =	vst v63  }
0x12: {  	_ =	swait.ge [sflag:s6], $0x1380  }
0x13: {  	s9 =	simm.s32 $0x80;
	s10 =	simm.s32 $0x10;
	[sflag:s6] =	ssyncset.done $0x0  }
0x14: {  	s12 =	sadd.s32 $0x0, s2;
	s11 =	simm.s32 $0x480;
	[sflag:s6] =	ssyncadd.s32 $0xFFFFEC80  }
.LBB2_4:
0x15: {  	[tilespmem:s9], [sflag:$0x2] =	stream.linear.gather [hbm4b:s12+s3], $0x80, $0x38;
	[tilespmem:$0x13800] =	vst v63  }
0x16: {  	s12 =	smov.u32 s10;
	s9 =	smov.u32 s11;
	p0 =	sne.s32 s10, $0x260  }
.Ltmp1:
0x17: {  	s10 =	sadd.s32 $0x10, s10;
	(pc) =	sbr.rel @p0 .LBB2_4-.Ltmp1, $2  }
0x18: {  	_ =	sdelay $0x2  }
0x19: {  	s11 =	sadd.s32 $0x400, s11;
	s12 =	sadd.s32 s12, s2  }
0x1a: {  	[tilespmem:s9], [sflag:$0x2] =	stream.linear.gather [hbm4b:s12+s3], $0x80, $0x38;
	[tilespmem:$0x13800] =	vst v63  }
0x1b: {  	_ =	swait.ge [sflag:s6], $0x1380  }
0x1c: {  	s9 =	simm.s32 $0x100;
	s10 =	simm.s32 $0x10;
	[sflag:s6] =	ssyncset.done $0x0  }
0x1d: {  	s12 =	sadd.s32 $0x0, s2;
	s11 =	simm.s32 $0x500;
	[sflag:s6] =	ssyncadd.s32 $0xFFFFEC80  }
.LBB2_6:
0x1e: {  	[tilespmem:s9], [sflag:$0x2] =	stream.linear.gather [hbm4b:s12+s3], $0x80, $0x38;
	[tilespmem:$0x13800] =	vst v63  }
0x1f: {  	s12 =	smov.u32 s10;
	s9 =	smov.u32 s11;
	p0 =	sne.s32 s10, $0x260  }
.Ltmp2:
0x20: {  	s10 =	sadd.s32 $0x10, s10;
	(pc) =	sbr.rel @p0 .LBB2_6-.Ltmp2, $2  }
0x21: {  	_ =	sdelay $0x2  }
0x22: {  	s11 =	sadd.s32 $0x400, s11;
	s12 =	sadd.s32 s12, s2  }
0x23: {  	[tilespmem:s9], [sflag:$0x2] =	stream.linear.gather [hbm4b:s12+s3], $0x80, $0x38;
	[tilespmem:$0x13800] =	vst v63  }
0x24: {  	_ =	swait.ge [sflag:s6], $0x1380  }
0x25: {  	s9 =	simm.s32 $0x180;
	s10 =	simm.s32 $0x10;
	[sflag:s6] =	ssyncset.done $0x0  }
0x26: {  	s12 =	sadd.s32 $0x0, s2;
	s11 =	simm.s32 $0x580;
	[sflag:s6] =	ssyncadd.s32 $0xFFFFEC80  }
.LBB2_8:
0x27: {  	[tilespmem:s9], [sflag:$0x2] =	stream.linear.gather [hbm4b:s12+s3], $0x80, $0x38;
	[tilespmem:$0x13800] =	vst v63  }
0x28: {  	s12 =	smov.u32 s10;
	s9 =	smov.u32 s11;
	p0 =	sne.s32 s10, $0x260  }
.Ltmp3:
0x29: {  	s10 =	sadd.s32 $0x10, s10;
	(pc) =	sbr.rel @p0 .LBB2_8-.Ltmp3, $2  }
0x2a: {  	_ =	sdelay $0x2  }
0x2b: {  	s11 =	sadd.s32 $0x400, s11;
	s12 =	sadd.s32 s12, s2  }
0x2c: {  	[tilespmem:s9], [sflag:$0x2] =	stream.linear.gather [hbm4b:s12+s3], $0x80, $0x38;
	[tilespmem:$0x13800] =	vst v63  }
0x2d: {  	_ =	swait.ge [sflag:s6], $0x1380  }
0x2e: {  	s9 =	simm.s32 $0x200;
	s10 =	simm.s32 $0x10;
	[sflag:s6] =	ssyncset.done $0x0  }
0x2f: {  	s12 =	sadd.s32 $0x0, s2;
	s11 =	simm.s32 $0x600;
	[sflag:s6] =	ssyncadd.s32 $0xFFFFEC80  }
.LBB2_10:
0x30: {  	[tilespmem:s9], [sflag:$0x2] =	stream.linear.gather [hbm4b:s12+s3], $0x80, $0x38;
	[tilespmem:$0x13800] =	vst v63  }
0x31: {  	s12 =	smov.u32 s10;
	s9 =	smov.u32 s11;
	p0 =	sne.s32 s10, $0x260  }
.Ltmp4:
0x32: {  	s10 =	sadd.s32 $0x10, s10;
	(pc) =	sbr.rel @p0 .LBB2_10-.Ltmp4, $2  }
0x33: {  	_ =	sdelay $0x2  }
0x34: {  	s11 =	sadd.s32 $0x400, s11;
	s12 =	sadd.s32 s12, s2  }
0x35: {  	[tilespmem:s9], [sflag:$0x2] =	stream.linear.gather [hbm4b:s12+s3], $0x80, $0x38;
	[tilespmem:$0x13800] =	vst v63  }
0x36: {  	_ =	swait.ge [sflag:s6], $0x1380  }
0x37: {  	s9 =	simm.s32 $0x280;
	s10 =	simm.s32 $0x10;
	[sflag:s6] =	ssyncset.done $0x0  }
0x38: {  	s12 =	sadd.s32 $0x0, s2;
	s11 =	simm.s32 $0x680;
	[sflag:s6] =	ssyncadd.s32 $0xFFFFEC80  }
.LBB2_12:
0x39: {  	[tilespmem:s9], [sflag:$0x2] =	stream.linear.gather [hbm4b:s12+s3], $0x80, $0x38;
	[tilespmem:$0x13800] =	vst v63  }
0x3a: {  	s12 =	smov.u32 s10;
	s9 =	smov.u32 s11;
	p0 =	sne.s32 s10, $0x260  }
.Ltmp5:
0x3b: {  	s10 =	sadd.s32 $0x10, s10;
	(pc) =	sbr.rel @p0 .LBB2_12-.Ltmp5, $2  }
0x3c: {  	_ =	sdelay $0x2  }
0x3d: {  	s11 =	sadd.s32 $0x400, s11;
	s12 =	sadd.s32 s12, s2  }
0x3e: {  	[tilespmem:s9], [sflag:$0x2] =	stream.linear.gather [hbm4b:s12+s3], $0x80, $0x38;
	[tilespmem:$0x13800] =	vst v63  }
0x3f: {  	_ =	swait.ge [sflag:s6], $0x1380  }
0x40: {  	s9 =	simm.s32 $0x300;
	s10 =	simm.s32 $0x10;
	[sflag:s6] =	ssyncset.done $0x0  }
0x41: {  	s12 =	sadd.s32 $0x0, s2;
	s11 =	simm.s32 $0x700;
	[sflag:s6] =	ssyncadd.s32 $0xFFFFEC80  }
.LBB2_14:
0x42: {  	[tilespmem:s9], [sflag:$0x2] =	stream.linear.gather [hbm4b:s12+s3], $0x80, $0x38;
	[tilespmem:$0x13800] =	vst v63  }
0x43: {  	s12 =	smov.u32 s10;
	s9 =	smov.u32 s11;
	p0 =	sne.s32 s10, $0x260  }
.Ltmp6:
0x44: {  	s10 =	sadd.s32 $0x10, s10;
	(pc) =	sbr.rel @p0 .LBB2_14-.Ltmp6, $2  }
0x45: {  	_ =	sdelay $0x2  }
0x46: {  	s11 =	sadd.s32 $0x400, s11;
	s12 =	sadd.s32 s12, s2  }
0x47: {  	[tilespmem:s9], [sflag:$0x2] =	stream.linear.gather [hbm4b:s12+s3], $0x80, $0x38;
	[tilespmem:$0x13800] =	vst v63  }
0x48: {  	_ =	swait.ge [sflag:s6], $0x1380  }
0x49: {  	s9 =	simm.s32 $0x380;
	s10 =	simm.s32 $0x10;
	[sflag:s6] =	ssyncset.done $0x0  }
0x4a: {  	s12 =	sadd.s32 $0x0, s2;
	s11 =	simm.s32 $0x780;
	[sflag:s6] =	ssyncadd.s32 $0xFFFFEC80  }
.LBB2_16:
0x4b: {  	[tilespmem:s9], [sflag:$0x2] =	stream.linear.gather [hbm4b:s12+s3], $0x80, $0x38;
	[tilespmem:$0x13800] =	vst v63  }
0x4c: {  	s12 =	smov.u32 s10;
	s9 =	smov.u32 s11;
	p0 =	sne.s32 s10, $0x260  }
.Ltmp7:
0x4d: {  	s10 =	sadd.s32 $0x10, s10;
	(pc) =	sbr.rel @p0 .LBB2_16-.Ltmp7, $2  }
0x4e: {  	_ =	sdelay $0x2  }
0x4f: {  	s11 =	sadd.s32 $0x400, s11;
	s12 =	sadd.s32 s12, s2  }
0x50: {  	[tilespmem:s9], [sflag:$0x2] =	stream.linear.gather [hbm4b:s12+s3], $0x80, $0x38;
	[tilespmem:$0x13800] =	vst v63  }
0x51: {  	_ =	swait.ge [sflag:s6], $0x1380  }
0x52: {  	s9 =	simm.s32 $0x9C00;
	s10 =	simm.s32 $0x10;
	[sflag:s6] =	ssyncset.done $0x0  }
0x53: {  	s12 =	sadd.s32 $0x0, s2;
	s11 =	simm.s32 $0xA000;
	[sflag:s6] =	ssyncadd.s32 $0xFFFFEC80  }
.LBB2_18:
0x54: {  	[tilespmem:s9], [sflag:$0x2] =	stream.linear.gather [hbm4b:s12+s3], $0x80, $0x38;
	[tilespmem:$0x13800] =	vst v63  }
0x55: {  	s12 =	smov.u32 s10;
	s9 =	smov.u32 s11;
	p0 =	sne.s32 s10, $0x260  }
.Ltmp8:
0x56: {  	s10 =	sadd.s32 $0x10, s10;
	(pc) =	sbr.rel @p0 .LBB2_18-.Ltmp8, $2  }
0x57: {  	_ =	sdelay $0x2  }
0x58: {  	s11 =	sadd.s32 $0x400, s11;
	s12 =	sadd.s32 s12, s2  }
0x59: {  	[tilespmem:s9], [sflag:$0x2] =	stream.linear.gather [hbm4b:s12+s3], $0x80, $0x38;
	[tilespmem:$0x13800] =	vst v63  }
0x5a: {  	_ =	swait.ge [sflag:s6], $0x1380  }
0x5b: {  	s9 =	simm.s32 $0x9C80;
	s10 =	simm.s32 $0x10;
	[sflag:s6] =	ssyncset.done $0x0  }
0x5c: {  	s12 =	sadd.s32 $0x0, s2;
	s11 =	simm.s32 $0xA080;
	[sflag:s6] =	ssyncadd.s32 $0xFFFFEC80  }
.LBB2_20:
0x5d: {  	[tilespmem:s9], [sflag:$0x2] =	stream.linear.gather [hbm4b:s12+s3], $0x80, $0x38;
	[tilespmem:$0x13800] =	vst v63  }
0x5e: {  	s12 =	smov.u32 s10;
	s9 =	smov.u32 s11;
	p0 =	sne.s32 s10, $0x260  }
.Ltmp9:
0x5f: {  	s10 =	sadd.s32 $0x10, s10;
	(pc) =	sbr.rel @p0 .LBB2_20-.Ltmp9, $2  }
0x60: {  	_ =	sdelay $0x2  }
0x61: {  	s11 =	sadd.s32 $0x400, s11;
	s12 =	sadd.s32 s12, s2  }
0x62: {  	[tilespmem:s9], [sflag:$0x2] =	stream.linear.gather [hbm4b:s12+s3], $0x80, $0x38;
	[tilespmem:$0x13800] =	vst v63  }
0x63: {  	_ =	swait.ge [sflag:s6], $0x1380  }
0x64: {  	s9 =	simm.s32 $0x9D00;
	s10 =	simm.s32 $0x10;
	[sflag:s6] =	ssyncset.done $0x0  }
0x65: {  	s12 =	sadd.s32 $0x0, s2;
	s11 =	simm.s32 $0xA100;
	[sflag:s6] =	ssyncadd.s32 $0xFFFFEC80  }
.LBB2_22:
0x66: {  	[tilespmem:s9], [sflag:$0x2] =	stream.linear.gather [hbm4b:s12+s3], $0x80, $0x38;
	[tilespmem:$0x13800] =	vst v63  }
0x67: {  	s12 =	smov.u32 s10;
	s9 =	smov.u32 s11;
	p0 =	sne.s32 s10, $0x260  }
.Ltmp10:
0x68: {  	s10 =	sadd.s32 $0x10, s10;
	(pc) =	sbr.rel @p0 .LBB2_22-.Ltmp10, $2  }
0x69: {  	_ =	sdelay $0x2  }
0x6a: {  	s11 =	sadd.s32 $0x400, s11;
	s12 =	sadd.s32 s12, s2  }
0x6b: {  	[tilespmem:s9], [sflag:$0x2] =	stream.linear.gather [hbm4b:s12+s3], $0x80, $0x38;
	[tilespmem:$0x13800] =	vst v63  }
0x6c: {  	_ =	swait.ge [sflag:s6], $0x1380  }
0x6d: {  	s9 =	simm.s32 $0x9D80;
	s10 =	simm.s32 $0x10;
	[sflag:s6] =	ssyncset.done $0x0  }
0x6e: {  	s12 =	sadd.s32 $0x0, s2;
	s11 =	simm.s32 $0xA180;
	[sflag:s6] =	ssyncadd.s32 $0xFFFFEC80  }
.LBB2_24:
0x6f: {  	[tilespmem:s9], [sflag:$0x2] =	stream.linear.gather [hbm4b:s12+s3], $0x80, $0x38;
	[tilespmem:$0x13800] =	vst v63  }
0x70: {  	s12 =	smov.u32 s10;
	s9 =	smov.u32 s11;
	p0 =	sne.s32 s10, $0x260  }
.Ltmp11:
0x71: {  	s10 =	sadd.s32 $0x10, s10;
	(pc) =	sbr.rel @p0 .LBB2_24-.Ltmp11, $2  }
0x72: {  	_ =	sdelay $0x2  }
0x73: {  	s11 =	sadd.s32 $0x400, s11;
	s12 =	sadd.s32 s12, s2  }
0x74: {  	[tilespmem:s9], [sflag:$0x2] =	stream.linear.gather [hbm4b:s12+s3], $0x80, $0x38;
	[tilespmem:$0x13800] =	vst v63  }
0x75: {  	_ =	swait.ge [sflag:s6], $0x1380  }
0x76: {  	s9 =	simm.s32 $0x9E00;
	s10 =	simm.s32 $0x10;
	[sflag:s6] =	ssyncset.done $0x0  }
0x77: {  	s12 =	sadd.s32 $0x0, s2;
	s11 =	simm.s32 $0xA200;
	[sflag:s6] =	ssyncadd.s32 $0xFFFFEC80  }
.LBB2_26:
0x78: {  	[tilespmem:s9], [sflag:$0x2] =	stream.linear.gather [hbm4b:s12+s3], $0x80, $0x38;
	[tilespmem:$0x13800] =	vst v63  }
0x79: {  	s12 =	smov.u32 s10;
	s9 =	smov.u32 s11;
	p0 =	sne.s32 s10, $0x260  }
.Ltmp12:
0x7a: {  	s10 =	sadd.s32 $0x10, s10;
	(pc) =	sbr.rel @p0 .LBB2_26-.Ltmp12, $2  }
0x7b: {  	_ =	sdelay $0x2  }
0x7c: {  	s11 =	sadd.s32 $0x400, s11;
	s12 =	sadd.s32 s12, s2  }
0x7d: {  	[tilespmem:s9], [sflag:$0x2] =	stream.linear.gather [hbm4b:s12+s3], $0x80, $0x38;
	[tilespmem:$0x13800] =	vst v63  }
0x7e: {  	_ =	swait.ge [sflag:s6], $0x1380  }
0x7f: {  	s9 =	simm.s32 $0x9E80;
	s10 =	simm.s32 $0x10;
	[sflag:s6] =	ssyncset.done $0x0  }
0x80: {  	s12 =	sadd.s32 $0x0, s2;
	s11 =	simm.s32 $0xA280;
	[sflag:s6] =	ssyncadd.s32 $0xFFFFEC80  }
.LBB2_28:
0x81: {  	[tilespmem:s9], [sflag:$0x2] =	stream.linear.gather [hbm4b:s12+s3], $0x80, $0x38;
	[tilespmem:$0x13800] =	vst v63  }
0x82: {  	s12 =	smov.u32 s10;
	s9 =	smov.u32 s11;
	p0 =	sne.s32 s10, $0x260  }
.Ltmp13:
0x83: {  	s10 =	sadd.s32 $0x10, s10;
	(pc) =	sbr.rel @p0 .LBB2_28-.Ltmp13, $2  }
0x84: {  	_ =	sdelay $0x2  }
0x85: {  	s11 =	sadd.s32 $0x400, s11;
	s12 =	sadd.s32 s12, s2  }
0x86: {  	[tilespmem:s9], [sflag:$0x2] =	stream.linear.gather [hbm4b:s12+s3], $0x80, $0x38;
	[tilespmem:$0x13800] =	vst v63  }
0x87: {  	_ =	swait.ge [sflag:s6], $0x1380  }
0x88: {  	s9 =	simm.s32 $0x9F00;
	s10 =	simm.s32 $0x10;
	[sflag:s6] =	ssyncset.done $0x0  }
0x89: {  	s12 =	sadd.s32 $0x0, s2;
	s11 =	simm.s32 $0xA300;
	[sflag:s6] =	ssyncadd.s32 $0xFFFFEC80  }
.LBB2_30:
0x8a: {  	[tilespmem:s9], [sflag:$0x2] =	stream.linear.gather [hbm4b:s12+s3], $0x80, $0x38;
	[tilespmem:$0x13800] =	vst v63  }
0x8b: {  	s12 =	smov.u32 s10;
	s9 =	smov.u32 s11;
	p0 =	sne.s32 s10, $0x260  }
.Ltmp14:
0x8c: {  	s10 =	sadd.s32 $0x10, s10;
	(pc) =	sbr.rel @p0 .LBB2_30-.Ltmp14, $2  }
0x8d: {  	_ =	sdelay $0x2  }
0x8e: {  	s11 =	sadd.s32 $0x400, s11;
	s12 =	sadd.s32 s12, s2  }
0x8f: {  	[tilespmem:s9], [sflag:$0x2] =	stream.linear.gather [hbm4b:s12+s3], $0x80, $0x38;
	[tilespmem:$0x13800] =	vst v63  }
0x90: {  	_ =	swait.ge [sflag:s6], $0x1380  }
0x91: {  	s9 =	simm.s32 $0x9F80;
	s10 =	simm.s32 $0x10;
	[sflag:s6] =	ssyncset.done $0x0  }
0x92: {  	s12 =	sadd.s32 $0x0, s2;
	s11 =	simm.s32 $0xA380;
	[sflag:s6] =	ssyncadd.s32 $0xFFFFEC80  }
.LBB2_32:
0x93: {  	[tilespmem:s9], [sflag:$0x2] =	stream.linear.gather [hbm4b:s12+s3], $0x80, $0x38;
	[tilespmem:$0x13800] =	vst v63  }
0x94: {  	s12 =	smov.u32 s10;
	s9 =	smov.u32 s11;
	p0 =	sne.s32 s10, $0x260  }
.Ltmp15:
0x95: {  	s10 =	sadd.s32 $0x10, s10;
	(pc) =	sbr.rel @p0 .LBB2_32-.Ltmp15, $2  }
0x96: {  	_ =	sdelay $0x2  }
0x97: {  	s11 =	sadd.s32 $0x400, s11;
	s12 =	sadd.s32 s12, s2  }
0x98: {  	[tilespmem:s9], [sflag:$0x2] =	stream.linear.gather [hbm4b:s12+s3], $0x80, $0x38;
	[tilespmem:$0x13800] =	vst v63  }
0x99: {  	_ =	swait.ge [sflag:s6], $0x1380  }
0x9a: {  	[sflag:s6] =	ssyncset.done $0x0  }
0x9b: {  	s25 =	sadd.s32 $0x0, s5;
	[sflag:s6] =	ssyncadd.s32 $0xFFFFEC80  }
0x9c: {  	[hbm4b:s25+s3] =	stream.linear.scatter [tilespmem:s3], [sflag:$0x1], $0x13800, $0x38;
	[tilespmem:$0x13800] =	vst v63  }
0x9d: {  	s10 =	sadd.s32 $0x2700, s25  }
0x9e: {  	[hbm4b:s10+s3] =	stream.linear.scatter [tilespmem:s3], [sflag:$0x1], $0x13800, $0x38;
	[tilespmem:$0x13800] =	vst v63  }
0x9f: {  	s26 =	sadd.s32 $0x4E00, s25  }
0xa0: {  	[hbm4b:s26+s3] =	stream.linear.scatter [tilespmem:s3], [sflag:$0x1], $0x13800, $0x38;
	[tilespmem:$0x13800] =	vst v63  }
0xa1: {  	s28 =	sadd.s32 $0x7500, s25  }
0xa2: {  	[hbm4b:s28+s3] =	stream.linear.scatter [tilespmem:s3], [sflag:$0x1], $0x13800, $0x38;
	[tilespmem:$0x13800] =	vst v63  }
0xa3: {  	s29 =	sadd.s32 $0x9C00, s25  }
0xa4: {  	[hbm4b:s29+s3] =	stream.linear.scatter [tilespmem:s3], [sflag:$0x1], $0x13800, $0x38;
	[tilespmem:$0x13800] =	vst v63  }
0xa5: {  	s30 =	sadd.s32 $0xC300, s25  }
0xa6: {  	[hbm4b:s30+s3] =	stream.linear.scatter [tilespmem:s3], [sflag:$0x1], $0x13800, $0x38;
	[tilespmem:$0x13800] =	vst v63  }
0xa7: {  	s31 =	sadd.s32 $0xEA00, s25  }
0xa8: {  	[hbm4b:s31+s3] =	stream.linear.scatter [tilespmem:s3], [sflag:$0x1], $0x13800, $0x38;
	[tilespmem:$0x13800] =	vst v63  }
0xa9: {  	s9 =	sadd.s32 $0x11100, s25  }
0xaa: {  	[hbm4b:s9+s3] =	stream.linear.scatter [tilespmem:s3], [sflag:$0x1], $0x13800, $0x38;
	[tilespmem:$0x13800] =	vst v63  }
0xab: {  	_ =	swait.ge [sflag:s7], $0x13800  }
0xac: {  	[sflag:s7] =	ssyncset.done $0x0  }
0xad: {  	[sflag:s7] =	ssyncadd.s32 $0xFFFEC800  }
0xae: {  	_ =	swait.ge [sflag:s7], $0x13800  }
0xaf: {  	[sflag:s7] =	ssyncset.done $0x0  }
0xb0: {  	[sflag:s7] =	ssyncadd.s32 $0xFFFEC800  }
0xb1: {  	_ =	swait.ge [sflag:s7], $0x13800  }
0xb2: {  	[sflag:s7] =	ssyncset.done $0x0  }
0xb3: {  	[sflag:s7] =	ssyncadd.s32 $0xFFFEC800  }
0xb4: {  	_ =	swait.ge [sflag:s7], $0x13800  }
0xb5: {  	[sflag:s7] =	ssyncset.done $0x0  }
0xb6: {  	[sflag:s7] =	ssyncadd.s32 $0xFFFEC800  }
0xb7: {  	_ =	swait.ge [sflag:s7], $0x13800  }
0xb8: {  	[sflag:s7] =	ssyncset.done $0x0  }
0xb9: {  	[sflag:s7] =	ssyncadd.s32 $0xFFFEC800  }
0xba: {  	_ =	swait.ge [sflag:s7], $0x13800  }
0xbb: {  	[sflag:s7] =	ssyncset.done $0x0  }
0xbc: {  	[sflag:s7] =	ssyncadd.s32 $0xFFFEC800  }
0xbd: {  	_ =	swait.ge [sflag:s7], $0x13800  }
0xbe: {  	[sflag:s7] =	ssyncset.done $0x0  }
0xbf: {  	[sflag:s7] =	ssyncadd.s32 $0xFFFEC800  }
0xc0: {  	_ =	swait.ge [sflag:s7], $0x13800  }
0xc1: {  	s11 =	simm.s32 $0x27000;
	s9 =	simm.s32 $0x13800;
	[sflag:s7] =	ssyncset.done $0x0  }
.LBB2_34:
0xc2: {  	s12 =	sadd.s32 s9, s5  }
0xc3: {  	[sflag:s7] =	ssyncadd.s32 $0xFFFEC800;
	s9 =	smov.u32 s11;
	s10 =	sadd.s32 $0x13800, s11  }
0xc4: {  	[hbm4b:s12+s3] =	stream.linear.scatter [tilespmem:s3], [sflag:$0x1], $0x13800, $0x38;
	[tilespmem:$0x13800] =	vst v63  }
0xc5: {  	p0 =	sne.s32 s11, $0x3A800;
	s11 =	sadd.s32 $0x2700, s12  }
0xc6: {  	[hbm4b:s11+s3] =	stream.linear.scatter [tilespmem:s3], [sflag:$0x1], $0x13800, $0x38;
	[tilespmem:$0x13800] =	vst v63  }
0xc7: {  	s11 =	sadd.s32 $0x4E00, s12  }
0xc8: {  	[hbm4b:s11+s3] =	stream.linear.scatter [tilespmem:s3], [sflag:$0x1], $0x13800, $0x38;
	[tilespmem:$0x13800] =	vst v63  }
0xc9: {  	s11 =	sadd.s32 $0x7500, s12  }
0xca: {  	[hbm4b:s11+s3] =	stream.linear.scatter [tilespmem:s3], [sflag:$0x1], $0x13800, $0x38;
	[tilespmem:$0x13800] =	vst v63  }
0xcb: {  	s11 =	sadd.s32 $0x9C00, s12  }
0xcc: {  	[hbm4b:s11+s3] =	stream.linear.scatter [tilespmem:s3], [sflag:$0x1], $0x13800, $0x38;
	[tilespmem:$0x13800] =	vst v63  }
0xcd: {  	s11 =	sadd.s32 $0xC300, s12  }
0xce: {  	[hbm4b:s11+s3] =	stream.linear.scatter [tilespmem:s3], [sflag:$0x1], $0x13800, $0x38;
	[tilespmem:$0x13800] =	vst v63  }
0xcf: {  	s11 =	sadd.s32 $0xEA00, s12  }
0xd0: {  	[hbm4b:s11+s3] =	stream.linear.scatter [tilespmem:s3], [sflag:$0x1], $0x13800, $0x38;
	[tilespmem:$0x13800] =	vst v63  }
0xd1: {  	s11 =	sadd.s32 $0x11100, s12  }
0xd2: {  	[hbm4b:s11+s3] =	stream.linear.scatter [tilespmem:s3], [sflag:$0x1], $0x13800, $0x38;
	[tilespmem:$0x13800] =	vst v63  }
0xd3: {  	_ =	swait.ge [sflag:s7], $0x13800  }
0xd4: {  	[sflag:s7] =	ssyncset.done $0x0  }
0xd5: {  	[sflag:s7] =	ssyncadd.s32 $0xFFFEC800  }
0xd6: {  	_ =	swait.ge [sflag:s7], $0x13800  }
0xd7: {  	[sflag:s7] =	ssyncset.done $0x0  }
0xd8: {  	[sflag:s7] =	ssyncadd.s32 $0xFFFEC800  }
0xd9: {  	_ =	swait.ge [sflag:s7], $0x13800  }
0xda: {  	[sflag:s7] =	ssyncset.done $0x0  }
0xdb: {  	[sflag:s7] =	ssyncadd.s32 $0xFFFEC800  }
0xdc: {  	_ =	swait.ge [sflag:s7], $0x13800  }
0xdd: {  	[sflag:s7] =	ssyncset.done $0x0  }
0xde: {  	[sflag:s7] =	ssyncadd.s32 $0xFFFEC800  }
0xdf: {  	_ =	swait.ge [sflag:s7], $0x13800  }
0xe0: {  	[sflag:s7] =	ssyncset.done $0x0  }
0xe1: {  	[sflag:s7] =	ssyncadd.s32 $0xFFFEC800  }
0xe2: {  	_ =	swait.ge [sflag:s7], $0x13800  }
0xe3: {  	[sflag:s7] =	ssyncset.done $0x0  }
0xe4: {  	[sflag:s7] =	ssyncadd.s32 $0xFFFEC800  }
.Ltmp16:
0xe5: {  	_ =	swait.ge [sflag:s7], $0x13800;
	(pc) =	sbr.rel @p0 .LBB2_34-.Ltmp16, $4  }
0xe6: {  	[sflag:s7] =	ssyncset.done $0x0  }
0xe7: {  	[sflag:s7] =	ssyncadd.s32 $0xFFFEC800  }
0xe8: {  	_ =	swait.ge [sflag:s7], $0x13800  }
0xe9: {  	s11 =	smov.u32 s10;
	[sflag:s7] =	ssyncset.done $0x0  }
0xea: {  	s9 =	sadd.s32 s9, s5;
	[sflag:s7] =	ssyncadd.s32 $0xFFFEC800  }
0xeb: {  	[hbm4b:s9+s3] =	stream.linear.scatter [tilespmem:s3], [sflag:$0x1], $0x13800, $0x38;
	[tilespmem:$0x13800] =	vst v63  }
0xec: {  	s10 =	sadd.s32 $0x2700, s9  }
0xed: {  	[hbm4b:s10+s3] =	stream.linear.scatter [tilespmem:s3], [sflag:$0x1], $0x13800, $0x38;
	[tilespmem:$0x13800] =	vst v63  }
0xee: {  	s26 =	sadd.s32 $0x4E00, s9  }
0xef: {  	[hbm4b:s26+s3] =	stream.linear.scatter [tilespmem:s3], [sflag:$0x1], $0x13800, $0x38;
	[tilespmem:$0x13800] =	vst v63  }
0xf0: {  	s28 =	sadd.s32 $0x7500, s9  }
0xf1: {  	[hbm4b:s28+s3] =	stream.linear.scatter [tilespmem:s3], [sflag:$0x1], $0x13800, $0x38;
	[tilespmem:$0x13800] =	vst v63  }
0xf2: {  	s29 =	sadd.s32 $0x9C00, s9  }
0xf3: {  	[hbm4b:s29+s3] =	stream.linear.scatter [tilespmem:s3], [sflag:$0x1], $0x13800, $0x38;
	[tilespmem:$0x13800] =	vst v63  }
0xf4: {  	s30 =	sadd.s32 $0xC300, s9  }
0xf5: {  	[hbm4b:s30+s3] =	stream.linear.scatter [tilespmem:s3], [sflag:$0x1], $0x13800, $0x38;
	[tilespmem:$0x13800] =	vst v63  }
0xf6: {  	s31 =	sadd.s32 $0xEA00, s9  }
0xf7: {  	[hbm4b:s31+s3] =	stream.linear.scatter [tilespmem:s3], [sflag:$0x1], $0x13800, $0x38;
	[tilespmem:$0x13800] =	vst v63  }
0xf8: {  	s9 =	sadd.s32 $0x11100, s9  }
0xf9: {  	[hbm4b:s9+s3] =	stream.linear.scatter [tilespmem:s3], [sflag:$0x1], $0x13800, $0x38;
	[tilespmem:$0x13800] =	vst v63  }
0xfa: {  	_ =	swait.ge [sflag:s7], $0x13800  }
0xfb: {  	[sflag:s7] =	ssyncset.done $0x0  }
0xfc: {  	[sflag:s7] =	ssyncadd.s32 $0xFFFEC800  }
0xfd: {  	_ =	swait.ge [sflag:s7], $0x13800  }
0xfe: {  	[sflag:s7] =	ssyncset.done $0x0  }
0xff: {  	[sflag:s7] =	ssyncadd.s32 $0xFFFEC800  }
0x100: {  	_ =	swait.ge [sflag:s7], $0x13800  }
0x101: {  	[sflag:s7] =	ssyncset.done $0x0  }
0x102: {  	[sflag:s7] =	ssyncadd.s32 $0xFFFEC800  }
0x103: {  	_ =	swait.ge [sflag:s7], $0x13800  }
0x104: {  	[sflag:s7] =	ssyncset.done $0x0  }
0x105: {  	[sflag:s7] =	ssyncadd.s32 $0xFFFEC800  }
0x106: {  	_ =	swait.ge [sflag:s7], $0x13800  }
0x107: {  	[sflag:s7] =	ssyncset.done $0x0  }
0x108: {  	[sflag:s7] =	ssyncadd.s32 $0xFFFEC800  }
0x109: {  	_ =	swait.ge [sflag:s7], $0x13800  }
0x10a: {  	[sflag:s7] =	ssyncset.done $0x0  }
0x10b: {  	s8 =	sadd.s32 $0x1, s8;
	[sflag:s7] =	ssyncadd.s32 $0xFFFEC800  }
0x10c: {  	p0 =	sne.s32 s8, s4;
	_ =	swait.ge [sflag:s7], $0x13800  }
.Ltmp17:
0x10d: {  	[sflag:s7] =	ssyncset.done $0x0;
	(pc) =	sbr.rel @p0 .LBB2_1-.Ltmp17, $4  }
0x10e: {  	[sflag:s7] =	ssyncadd.s32 $0xFFFEC800  }
0x10f: {  	_ =	swait.ge [sflag:s7], $0x13800  }
0x110: {  	[sflag:s7] =	ssyncset.done $0x0  }
0x111: {  	[sflag:s7] =	ssyncadd.s32 $0xFFFEC800  }
0x112: {  	_ =	sfence.sel $0x180000  }
0x113: {  	[bflag:$0x0] =	sbarrier.arrive $0xFFFF  }
0x114: {  	p0 =	sne.s32 s0, $0x0;
	_ =	strace $0x90000047  }
0x115: {  	s0 =	sadd.s32 @!p0 $0x100000, s1;
	[bflag:$0x2] =	sbarrier.arrive $0xFFFF  }
0x116: {  	[sflag:s0] =	ssyncadd.tile.s32 @!p0 $0x1;
	_ =	shalt  }
.Lfunc_end2:
_tile_overlayer_lowered:
.L_overlay_start_2:
0x117: {  	(tag) =	ssettag $0x2  }
0x118: {  	s0 =	rddreg [dreg:$0x0];
	s2 =	stileid.u32  }
0x119: {  	s1 =	rddreg [dreg:$0x1];
	p0 =	sne.s32 s2, $0x0  }
0x11a: {  	s3 =	rddreg [dreg:$0x2];
	[bflag:$0x3] =	sbarrier.arrive $0xFFFF;
	s2 =	simm.s32 @!p0 $0x1C02  }
0x11b: {  	[timem:s3], [sflag:s2] =	dma.local @!p0 [hbm:s0], s1  }
0x11c: {  	s0 =	simm.s32 @!p0 $0x2  }
0x11d: {  	_ =	swait.ge @!p0 [sflag:s0], s1  }
0x11e: {  	s1 =	ssub.s32 @!p0 $0x0, s1;
	[sflag:s0] =	ssyncset.done @!p0 $0x0  }
0x11f: {  	[sflag:s0] =	ssyncadd.s32 @!p0 s1  }
0x120: {  	[bflag:$0x3] =	sbarrier.arrive $0xFFFF  }
0x121: {  	_ =	shalt  }

</sc_bundles>
